<compile_context>
chip_gen: v7x
topology: tpu7x:2x2x1
jax: 0.10.2.dev20260603
libtpu: 0.0.44.dev20260713+nightly
codegen_flags: <defaults>
</compile_context>

<pallas_src>
import functools

import jax
import jax.numpy as jnp
from jax import lax
from jax.experimental import pallas as pl
from jax.experimental.pallas import tpu as pltpu
from jax.experimental.pallas import tpu_sc as plsc

N_TOTAL = 16777216
NUM_WORKERS = 32
EW = N_TOTAL // NUM_WORKERS
CHUNK = 16384
NCHUNK = EW // CHUNK
LANES = 16

_GATHER_DNUMS = lax.GatherDimensionNumbers(
    offset_dims=(), collapsed_slice_dims=(0,), start_index_map=(0,))


def _vreg_gather(tab, idx):
    return lax.gather(
        tab, idx[:, None], _GATHER_DNUMS, (1,),
        indices_are_sorted=False, unique_indices=False,
        mode=lax.GatherScatterMode.PROMISE_IN_BOUNDS)


def _splat(vec, lane):
    return _vreg_gather(vec, jnp.full((LANES,), lane, dtype=jnp.int32))


def _sc_kernel(p_hbm, knots_hbm, values_hbm, out_hbm,
               knots_v, values_v,
               in0, in1, out0, out1, si0, si1, so0, so1):
    cid = lax.axis_index("c")
    sid = lax.axis_index("s")
    wid = sid * 2 + cid
    base = wid * EW

    in_sems = (si0, si1)

    def prologue_in(c, b, buf):
        return pltpu.make_async_copy(
            p_hbm.at[pl.ds(base + c * CHUNK, CHUNK)], buf, in_sems[b])

    prologue_in(0, 0, in0).start()
    prologue_in(1, 1, in1).start()

    pltpu.sync_copy(knots_hbm, knots_v)
    pltpu.sync_copy(values_hbm, values_v)

    v_lo = values_v[pl.ds(0, LANES)]
    v_hi = values_v[pl.ds(1, LANES)]
    k_hi = knots_v[pl.ds(1, LANES)]
    d = v_hi - v_lo
    k0 = _splat(knots_v[pl.ds(0, LANES)], 0)
    k16 = _splat(k_hi, 15)
    invh = 16.0 / (k16 - k0)
    c0 = -k0 * invh
    seg = lax.iota(jnp.int32, LANES).astype(jnp.float32)
    vtab = v_lo - (seg - c0) * d
    dtab = invh * d
    cmax = jnp.float32(1.0 - 2.0 ** -23)

    in_bufs = (in0, in1)
    out_bufs = (out0, out1)
    out_sems = (so0, so1)

    def in_copy(c, b):
        return pltpu.make_async_copy(
            p_hbm.at[pl.ds(base + c * CHUNK, CHUNK)], in_bufs[b], in_sems[b])

    def out_copy(c, b):
        return pltpu.make_async_copy(
            out_bufs[b], out_hbm.at[pl.ds(base + c * CHUNK, CHUNK)],
            out_sems[b])

    def compute(b):
        ib = in_bufs[b]
        ob = out_bufs[b]

        @plsc.parallel_loop(0, CHUNK, step=LANES, unroll=16)
        def _(off):
            x = ib[pl.ds(off, LANES)]
            u = jnp.minimum(x, cmax) + 1.0
            bits = lax.bitcast_convert_type(u, jnp.int32)
            i = lax.shift_right_logical(bits, 19) & 15
            b_ = _vreg_gather(vtab, i)
            e_ = _vreg_gather(dtab, i)
            ob[pl.ds(off, LANES)] = x * e_ + b_

    def pipe_body(it, _):
        for b in (0, 1):
            c = it * 2 + b
            in_copy(c, b).wait()

            @pl.when(it >= 1)
            def _():
                out_copy(c - 2, b).wait()

            compute(b)
            out_copy(c, b).start()

            @pl.when(it < NCHUNK // 2 - 1)
            def _():
                in_copy(c + 2, b).start()
        return 0

    lax.fori_loop(0, NCHUNK // 2, pipe_body, 0)
    out_copy(NCHUNK - 2, 0).wait()
    out_copy(NCHUNK - 1, 1).wait()


@jax.jit
def kernel(p, knots, values):
    mesh = plsc.VectorSubcoreMesh(core_axis_name="c", subcore_axis_name="s")
    run = functools.partial(
        pl.kernel,
        mesh=mesh,
        out_type=jax.ShapeDtypeStruct((N_TOTAL,), jnp.float32),
        scratch_types=[
            pltpu.VMEM((17,), jnp.float32),
            pltpu.VMEM((17,), jnp.float32),
            pltpu.VMEM((CHUNK,), jnp.float32),
            pltpu.VMEM((CHUNK,), jnp.float32),
            pltpu.VMEM((CHUNK,), jnp.float32),
            pltpu.VMEM((CHUNK,), jnp.float32),
            pltpu.SemaphoreType.DMA,
            pltpu.SemaphoreType.DMA,
            pltpu.SemaphoreType.DMA,
            pltpu.SemaphoreType.DMA,
        ],
    )(_sc_kernel)
    return run(p, knots, values)

# --- scband reference (transcript-rebuilt; emitter-appended) ---
"""Pipeline reference for scband-piecewise-linear1-d-15418932593069 (READ-ONLY COPY).

The authoritative reference and input builder live on the scoring server;
editing this copy changes nothing except your own understanding.
"""

import jax, jax.numpy as jnp
import numpy as np

KNOTS = np.array([0.0, 0.0625, 0.125, 0.1875, 0.25, 0.3125, 0.375, 0.4375, 0.5, 0.5625, 0.625, 0.6875, 0.75, 0.8125, 0.875, 0.9375, 1.0], dtype=np.float32)
INIT_VALUES = np.array([0.0, 0.12, -0.08, 0.25, 0.05, -0.15, 0.3, 0.1, -0.2, 0.18, 0.02, -0.05, 0.22, 0.08, -0.12, 0.15, 0.0], dtype=np.float32)


def setup_inputs(seed: int = 0) -> dict:
    key = jax.random.key(seed)
    N = 16777216
    p = jax.random.uniform(key, (N,), dtype=jnp.float32)
    knots = jnp.asarray(KNOTS)
    values = jnp.asarray(INIT_VALUES)
    return {"p": p, "knots": knots, "values": values}


def reference(p, knots, values):
    # clamp to knot range (torch uses scalar k[0], k[-1])
    p_clamped = jnp.clip(p, knots[0], knots[-1])
    idx = jnp.searchsorted(knots, p_clamped, side='right') - 1
    idx = jnp.clip(idx, 0, knots.shape[0] - 2)
    k0 = jnp.take(knots, idx)
    k1 = jnp.take(knots, idx + 1)
    v0 = jnp.take(values, idx)
    v1 = jnp.take(values, idx + 1)
    t = (p_clamped - k0) / (k1 - k0 + 1e-12)
    return v0 + t * (v1 - v0)

if __name__ == "__main__":
    import jax
    _d = setup_inputs()
    print(jax.jit(kernel)(*tuple(_d.values())))

</pallas_src>

<mosaic_0001>
#map = affine_map<(d0, d1) -> (0)>
module attributes {stable_mosaic.version = 14 : i64} {
  func.func @_sc_kernel(%arg0: i32, %arg1: i32, %arg2: memref<16777216xf32, #tpu.memory_space<hbm>>, %arg3: memref<17xf32, #tpu.memory_space<hbm>>, %arg4: memref<17xf32, #tpu.memory_space<hbm>>, %arg5: memref<16777216xf32, #tpu.memory_space<hbm>>, %arg6: memref<17xf32, #tpu.memory_space<vmem>>, %arg7: memref<17xf32, #tpu.memory_space<vmem>>, %arg8: memref<16384xf32, #tpu.memory_space<vmem>>, %arg9: memref<16384xf32, #tpu.memory_space<vmem>>, %arg10: memref<16384xf32, #tpu.memory_space<vmem>>, %arg11: memref<16384xf32, #tpu.memory_space<vmem>>, %arg12: memref<!tpu.dma_semaphore, #tpu.memory_space<semaphore_mem>>, %arg13: memref<!tpu.dma_semaphore, #tpu.memory_space<semaphore_mem>>, %arg14: memref<!tpu.dma_semaphore, #tpu.memory_space<semaphore_mem>>, %arg15: memref<!tpu.dma_semaphore, #tpu.memory_space<semaphore_mem>>) attributes {dimension_semantics = [#tpu.dimension_semantics<core_parallel>, #tpu.dimension_semantics<subcore_parallel>], iteration_bounds = array<i64: 2, 16>, scalar_prefetch = 0 : i64, scratch_operands = 10 : i64, tpu.core_type = #tpu.core_type<sc_vector_subcore>, window_params = [{transform_indices = #map}, {transform_indices = #map}, {transform_indices = #map}, {transform_indices = #map}]} {
    %mul3A = arith.constant 2 : i32
    %mul3A_0 = arith.muli %arg1, %mul3A : i32
    %add3A = arith.addi %mul3A_0, %arg0 : i32
    %mul3A_1 = arith.constant 524288 : i32
    %mul3A_2 = arith.muli %add3A, %mul3A_1 : i32
    %add3A_3 = arith.constant 0 : i32
    %add3A_4 = arith.addi %mul3A_2, %add3A_3 : i32
    %dma_start3A = tpu.memref_slice %arg2[%add3A_4] : memref<16777216xf32, #tpu.memory_space<hbm>> -> memref<16384xf32, #tpu.memory_space<hbm>>
    %dma_start3A_5 = tpu.memref_slice %arg2[%add3A_4] : memref<16777216xf32, #tpu.memory_space<hbm>> -> memref<16384xf32, #tpu.memory_space<hbm>>
    tpu.enqueue_dma source(%dma_start3A_5 : memref<16384xf32, #tpu.memory_space<hbm>>) target(%arg8 : memref<16384xf32, #tpu.memory_space<vmem>>) target_semaphore(%arg12 : memref<!tpu.dma_semaphore, #tpu.memory_space<semaphore_mem>>)
    %add3A_6 = arith.constant 16384 : i32
    %add3A_7 = arith.addi %mul3A_2, %add3A_6 : i32
    %dma_start3A_8 = tpu.memref_slice %arg2[%add3A_7] : memref<16777216xf32, #tpu.memory_space<hbm>> -> memref<16384xf32, #tpu.memory_space<hbm>>
    %dma_start3A_9 = tpu.memref_slice %arg2[%add3A_7] : memref<16777216xf32, #tpu.memory_space<hbm>> -> memref<16384xf32, #tpu.memory_space<hbm>>
    tpu.enqueue_dma source(%dma_start3A_9 : memref<16384xf32, #tpu.memory_space<hbm>>) target(%arg9 : memref<16384xf32, #tpu.memory_space<vmem>>) target_semaphore(%arg13 : memref<!tpu.dma_semaphore, #tpu.memory_space<semaphore_mem>>)
    "tpu.region"() ({
      %run_scoped3A = tpu.sem_alloc : memref<!tpu.dma_semaphore, #tpu.memory_space<semaphore_mem>>
      tpu.enqueue_dma source(%arg3 : memref<17xf32, #tpu.memory_space<hbm>>) target(%arg6 : memref<17xf32, #tpu.memory_space<vmem>>) target_semaphore(%run_scoped3A : memref<!tpu.dma_semaphore, #tpu.memory_space<semaphore_mem>>)
      tpu.wait_dma2 semaphore(%run_scoped3A : memref<!tpu.dma_semaphore, #tpu.memory_space<semaphore_mem>>) src(%arg3 : memref<17xf32, #tpu.memory_space<hbm>>) dst(%arg6 : memref<17xf32, #tpu.memory_space<vmem>>)
      tpu.yield
    }) : () -> ()
    "tpu.region"() ({
      %run_scoped3A = tpu.sem_alloc : memref<!tpu.dma_semaphore, #tpu.memory_space<semaphore_mem>>
      tpu.enqueue_dma source(%arg4 : memref<17xf32, #tpu.memory_space<hbm>>) target(%arg7 : memref<17xf32, #tpu.memory_space<vmem>>) target_semaphore(%run_scoped3A : memref<!tpu.dma_semaphore, #tpu.memory_space<semaphore_mem>>)
      tpu.wait_dma2 semaphore(%run_scoped3A : memref<!tpu.dma_semaphore, #tpu.memory_space<semaphore_mem>>) src(%arg4 : memref<17xf32, #tpu.memory_space<hbm>>) dst(%arg7 : memref<17xf32, #tpu.memory_space<vmem>>)
      tpu.yield
    }) : () -> ()
    %get3A = arith.constant 0 : index
    %get3A_10 = tpu.vector_load %arg7[%get3A] {strides = array<i32>} : memref<17xf32, #tpu.memory_space<vmem>>, vector<16xf32>,
    %get3A_11 = vector.shape_cast %get3A_10 : vector<16xf32> to vector<16xf32>
    %get3A_12 = arith.constant 1 : index
    %get3A_13 = tpu.vector_load %arg7[%get3A_12] {strides = array<i32>} : memref<17xf32, #tpu.memory_space<vmem>>, vector<16xf32>,
    %get3A_14 = vector.shape_cast %get3A_13 : vector<16xf32> to vector<16xf32>
    %get3A_15 = arith.constant 1 : index
    %get3A_16 = tpu.vector_load %arg6[%get3A_15] {strides = array<i32>} : memref<17xf32, #tpu.memory_space<vmem>>, vector<16xf32>,
    %get3A_17 = vector.shape_cast %get3A_16 : vector<16xf32> to vector<16xf32>
    %sub3A = arith.subf %get3A_14, %get3A_11 : vector<16xf32>
    %get3A_18 = arith.constant 0 : index
    %get3A_19 = tpu.vector_load %arg6[%get3A_18] {strides = array<i32>} : memref<17xf32, #tpu.memory_space<vmem>>, vector<16xf32>,
    %get3A_20 = vector.shape_cast %get3A_19 : vector<16xf32> to vector<16xf32>
    %broadcast_in_dim3A = arith.constant 0 : i32
    %broadcast_in_dim3A_21 = vector.broadcast %broadcast_in_dim3A : i32 to vector<16xi32>
    %broadcast_in_dim3A_22 = vector.shape_cast %broadcast_in_dim3A_21 : vector<16xi32> to vector<16x1xi32>
    %gather3A = vector.shape_cast %broadcast_in_dim3A_22 : vector<16x1xi32> to vector<16xi32>
    %gather3A_23 = tpu.dynamic_gather %get3A_20[%gather3A] in [0] : vector<16xf32>, vector<16xi32> -> vector<16xf32>
    %broadcast_in_dim3A_24 = arith.constant 15 : i32
    %broadcast_in_dim3A_25 = vector.broadcast %broadcast_in_dim3A_24 : i32 to vector<16xi32>
    %broadcast_in_dim3A_26 = vector.shape_cast %broadcast_in_dim3A_25 : vector<16xi32> to vector<16x1xi32>
    %gather3A_27 = vector.shape_cast %broadcast_in_dim3A_26 : vector<16x1xi32> to vector<16xi32>
    %gather3A_28 = tpu.dynamic_gather %get3A_17[%gather3A_27] in [0] : vector<16xf32>, vector<16xi32> -> vector<16xf32>
    %sub3A_29 = arith.subf %gather3A_28, %gather3A_23 : vector<16xf32>
    %div3A = arith.constant 1.600000e+01 : f32
    %div3A_30 = vector.broadcast %div3A : f32 to vector<16xf32>
    %div3A_31 = arith.divf %div3A_30, %sub3A_29 : vector<16xf32>
    %neg3A = arith.constant 0.000000e+00 : f32
    %neg3A_32 = vector.broadcast %neg3A : f32 to vector<16xf32>
    %neg3A_33 = arith.subf %neg3A_32, %gather3A_23 : vector<16xf32>
    %mul3A_34 = arith.mulf %neg3A_33, %div3A_31 : vector<16xf32>
    %iota3A = tpu.iota {dimensions = array<i32: 0>} : vector<16xi32>
    %convert_element_type3A = arith.sitofp %iota3A : vector<16xi32> to vector<16xf32>
    %sub3A_35 = arith.subf %convert_element_type3A, %mul3A_34 : vector<16xf32>
    %mul3A_36 = arith.mulf %sub3A_35, %sub3A : vector<16xf32>
    %sub3A_37 = arith.subf %get3A_11, %mul3A_36 : vector<16xf32>
    %mul3A_38 = arith.mulf %div3A_31, %sub3A : vector<16xf32>
    %scan3A = arith.constant 0.99999988 : f32
    %scan3A_39 = arith.constant 0 : i32
    %scan3A_40 = arith.constant 0 : i32
    %scan3A_41 = arith.constant 16 : i32
    %scan3A_42 = arith.addi %scan3A_40, %scan3A_41 : i32
    %scan3A_43 = arith.constant 1 : i32
    %scan3A_44 = scf.for %scan3A_53 = %scan3A_40 to %scan3A_42 step %scan3A_43 iter_args(%scan3A_54 = %scan3A_39) -> (i32)  : i32 {
      %mul3A_55 = arith.constant 2 : i32
      %mul3A_56 = arith.muli %scan3A_53, %mul3A_55 : i32
      %add3A_57 = arith.constant 0 : i32
      %add3A_58 = arith.addi %mul3A_56, %add3A_57 : i32
      %mul3A_59 = arith.constant 16384 : i32
      %mul3A_60 = arith.muli %add3A_58, %mul3A_59 : i32
      %add3A_61 = arith.addi %mul3A_2, %mul3A_60 : i32
      %dma_wait3A_62 = tpu.memref_slice %arg2[%add3A_61] : memref<16777216xf32, #tpu.memory_space<hbm>> -> memref<16384xf32, #tpu.memory_space<hbm>>
      %dma_wait3A_63 = tpu.memref_slice %arg2[%add3A_61] : memref<16777216xf32, #tpu.memory_space<hbm>> -> memref<16384xf32, #tpu.memory_space<hbm>>
      tpu.wait_dma2 semaphore(%arg12 : memref<!tpu.dma_semaphore, #tpu.memory_space<semaphore_mem>>) src(%dma_wait3A_63 : memref<16384xf32, #tpu.memory_space<hbm>>) dst(%arg8 : memref<16384xf32, #tpu.memory_space<vmem>>)
      %ge3A = arith.constant 1 : i32
      %ge3A_64 = arith.cmpi sge, %scan3A_53, %ge3A : i32
      %convert_element_type3A_65 = arith.extui %ge3A_64 : i1 to i32
      %cond3A = arith.constant 0 : i32
      %cond3A_66 = arith.cmpi ne, %convert_element_type3A_65, %cond3A : i32
      scf.if %cond3A_66 {
        %sub3A_106 = arith.constant 2 : i32
        %sub3A_107 = arith.subi %add3A_58, %sub3A_106 : i32
        %mul3A_108 = arith.constant 16384 : i32
        %mul3A_109 = arith.muli %sub3A_107, %mul3A_108 : i32
        %add3A_110 = arith.addi %mul3A_2, %mul3A_109 : i32
        %dma_wait3A_111 = tpu.memref_slice %arg5[%add3A_110] : memref<16777216xf32, #tpu.memory_space<hbm>> -> memref<16384xf32, #tpu.memory_space<hbm>>
        %dma_wait3A_112 = tpu.memref_slice %arg5[%add3A_110] : memref<16777216xf32, #tpu.memory_space<hbm>> -> memref<16384xf32, #tpu.memory_space<hbm>>
        tpu.wait_dma2 semaphore(%arg14 : memref<!tpu.dma_semaphore, #tpu.memory_space<semaphore_mem>>) src(%arg10 : memref<16384xf32, #tpu.memory_space<vmem>>) dst(%dma_wait3A_112 : memref<16384xf32, #tpu.memory_space<hbm>>)
      } else {
      }
      %parallel_loop3A = arith.constant 0 : i32
      %parallel_loop3A_67 = arith.constant 16384 : i32
      %parallel_loop3A_68 = arith.constant 16 : i32
      scf.for %parallel_loop3A_106 = %parallel_loop3A to %parallel_loop3A_67 step %parallel_loop3A_68  : i32 {
        %parallel_loop3A_107 = arith.index_cast %parallel_loop3A_106 : i32 to index
        %parallel_loop3A_108 = tpu.vector_load %arg8[%parallel_loop3A_107] {strides = array<i32>} : memref<16384xf32, #tpu.memory_space<vmem>>, vector<16xf32>,
        %parallel_loop3A_109 = vector.shape_cast %parallel_loop3A_108 : vector<16xf32> to vector<16xf32>
        %parallel_loop3A_110 = vector.broadcast %scan3A : f32 to vector<16xf32>
        %parallel_loop3A_111 = arith.minimumf %parallel_loop3A_109, %parallel_loop3A_110 : vector<16xf32>
        %parallel_loop3A_112 = arith.constant 1.000000e+00 : f32
        %parallel_loop3A_113 = vector.broadcast %parallel_loop3A_112 : f32 to vector<16xf32>
        %parallel_loop3A_114 = arith.addf %parallel_loop3A_111, %parallel_loop3A_113 : vector<16xf32>
        %parallel_loop3A_115 = tpu.bitcast %parallel_loop3A_114 : vector<16xf32> -> vector<16xi32>
        %parallel_loop3A_116 = arith.constant 19 : i32
        %parallel_loop3A_117 = vector.broadcast %parallel_loop3A_116 : i32 to vector<16xi32>
        %parallel_loop3A_118 = arith.shrui %parallel_loop3A_115, %parallel_loop3A_117 : vector<16xi32>
        %parallel_loop3A_119 = arith.constant 15 : i32
        %parallel_loop3A_120 = vector.broadcast %parallel_loop3A_119 : i32 to vector<16xi32>
        %parallel_loop3A_121 = arith.andi %parallel_loop3A_118, %parallel_loop3A_120 : vector<16xi32>
        %parallel_loop3A_122 = vector.shape_cast %parallel_loop3A_121 : vector<16xi32> to vector<16x1xi32>
        %parallel_loop3A_123 = vector.shape_cast %parallel_loop3A_122 : vector<16x1xi32> to vector<16xi32>
        %parallel_loop3A_124 = tpu.dynamic_gather %sub3A_37[%parallel_loop3A_123] in [0] : vector<16xf32>, vector<16xi32> -> vector<16xf32>
        %parallel_loop3A_125 = vector.shape_cast %parallel_loop3A_121 : vector<16xi32> to vector<16x1xi32>
        %parallel_loop3A_126 = vector.shape_cast %parallel_loop3A_125 : vector<16x1xi32> to vector<16xi32>
        %parallel_loop3A_127 = tpu.dynamic_gather %mul3A_38[%parallel_loop3A_126] in [0] : vector<16xf32>, vector<16xi32> -> vector<16xf32>
        %parallel_loop3A_128 = arith.mulf %parallel_loop3A_109, %parallel_loop3A_127 : vector<16xf32>
        %parallel_loop3A_129 = arith.addf %parallel_loop3A_128, %parallel_loop3A_124 : vector<16xf32>
        %parallel_loop3A_130 = arith.index_cast %parallel_loop3A_106 : i32 to index
        %parallel_loop3A_131 = tpu.vector_load %arg10[%parallel_loop3A_130] {strides = array<i32>} : memref<16384xf32, #tpu.memory_space<vmem>>, vector<16xf32>,
        %parallel_loop3A_132 = vector.shape_cast %parallel_loop3A_131 : vector<16xf32> to vector<16xf32>
        %parallel_loop3A_133 = vector.shape_cast %parallel_loop3A_129 : vector<16xf32> to vector<16xf32>
        tpu.vector_store %arg10[%parallel_loop3A_130], %parallel_loop3A_133 {strides = array<i32>} : memref<16384xf32, #tpu.memory_space<vmem>>, vector<16xf32>,
      } {sc.loop_unroll_factor = 16 : i64, sc.parallel_access}
      %mul3A_69 = arith.constant 16384 : i32
      %mul3A_70 = arith.muli %add3A_58, %mul3A_69 : i32
      %add3A_71 = arith.addi %mul3A_2, %mul3A_70 : i32
      %dma_start3A_72 = tpu.memref_slice %arg5[%add3A_71] : memref<16777216xf32, #tpu.memory_space<hbm>> -> memref<16384xf32, #tpu.memory_space<hbm>>
      %dma_start3A_73 = tpu.memref_slice %arg5[%add3A_71] : memref<16777216xf32, #tpu.memory_space<hbm>> -> memref<16384xf32, #tpu.memory_space<hbm>>
      tpu.enqueue_dma source(%arg10 : memref<16384xf32, #tpu.memory_space<vmem>>) target(%dma_start3A_73 : memref<16384xf32, #tpu.memory_space<hbm>>) target_semaphore(%arg14 : memref<!tpu.dma_semaphore, #tpu.memory_space<semaphore_mem>>)
      %lt3A = arith.constant 15 : i32
      %lt3A_74 = arith.cmpi slt, %scan3A_53, %lt3A : i32
      %convert_element_type3A_75 = arith.extui %lt3A_74 : i1 to i32
      %cond3A_76 = arith.constant 0 : i32
      %cond3A_77 = arith.cmpi ne, %convert_element_type3A_75, %cond3A_76 : i32
      scf.if %cond3A_77 {
        %add3A_106 = arith.constant 2 : i32
        %add3A_107 = arith.addi %add3A_58, %add3A_106 : i32
        %mul3A_108 = arith.constant 16384 : i32
        %mul3A_109 = arith.muli %add3A_107, %mul3A_108 : i32
        %add3A_110 = arith.addi %mul3A_2, %mul3A_109 : i32
        %dma_start3A_111 = tpu.memref_slice %arg2[%add3A_110] : memref<16777216xf32, #tpu.memory_space<hbm>> -> memref<16384xf32, #tpu.memory_space<hbm>>
        %dma_start3A_112 = tpu.memref_slice %arg2[%add3A_110] : memref<16777216xf32, #tpu.memory_space<hbm>> -> memref<16384xf32, #tpu.memory_space<hbm>>
        tpu.enqueue_dma source(%dma_start3A_112 : memref<16384xf32, #tpu.memory_space<hbm>>) target(%arg8 : memref<16384xf32, #tpu.memory_space<vmem>>) target_semaphore(%arg12 : memref<!tpu.dma_semaphore, #tpu.memory_space<semaphore_mem>>)
      } else {
      }
      %mul3A_78 = arith.constant 2 : i32
      %mul3A_79 = arith.muli %scan3A_53, %mul3A_78 : i32
      %add3A_80 = arith.constant 1 : i32
      %add3A_81 = arith.addi %mul3A_79, %add3A_80 : i32
      %mul3A_82 = arith.constant 16384 : i32
      %mul3A_83 = arith.muli %add3A_81, %mul3A_82 : i32
      %add3A_84 = arith.addi %mul3A_2, %mul3A_83 : i32
      %dma_wait3A_85 = tpu.memref_slice %arg2[%add3A_84] : memref<16777216xf32, #tpu.memory_space<hbm>> -> memref<16384xf32, #tpu.memory_space<hbm>>
      %dma_wait3A_86 = tpu.memref_slice %arg2[%add3A_84] : memref<16777216xf32, #tpu.memory_space<hbm>> -> memref<16384xf32, #tpu.memory_space<hbm>>
      tpu.wait_dma2 semaphore(%arg13 : memref<!tpu.dma_semaphore, #tpu.memory_space<semaphore_mem>>) src(%dma_wait3A_86 : memref<16384xf32, #tpu.memory_space<hbm>>) dst(%arg9 : memref<16384xf32, #tpu.memory_space<vmem>>)
      %ge3A_87 = arith.constant 1 : i32
      %ge3A_88 = arith.cmpi sge, %scan3A_53, %ge3A_87 : i32
      %convert_element_type3A_89 = arith.extui %ge3A_88 : i1 to i32
      %cond3A_90 = arith.constant 0 : i32
      %cond3A_91 = arith.cmpi ne, %convert_element_type3A_89, %cond3A_90 : i32
      scf.if %cond3A_91 {
        %sub3A_106 = arith.constant 2 : i32
        %sub3A_107 = arith.subi %add3A_81, %sub3A_106 : i32
        %mul3A_108 = arith.constant 16384 : i32
        %mul3A_109 = arith.muli %sub3A_107, %mul3A_108 : i32
        %add3A_110 = arith.addi %mul3A_2, %mul3A_109 : i32
        %dma_wait3A_111 = tpu.memref_slice %arg5[%add3A_110] : memref<16777216xf32, #tpu.memory_space<hbm>> -> memref<16384xf32, #tpu.memory_space<hbm>>
        %dma_wait3A_112 = tpu.memref_slice %arg5[%add3A_110] : memref<16777216xf32, #tpu.memory_space<hbm>> -> memref<16384xf32, #tpu.memory_space<hbm>>
        tpu.wait_dma2 semaphore(%arg15 : memref<!tpu.dma_semaphore, #tpu.memory_space<semaphore_mem>>) src(%arg11 : memref<16384xf32, #tpu.memory_space<vmem>>) dst(%dma_wait3A_112 : memref<16384xf32, #tpu.memory_space<hbm>>)
      } else {
      }
      %parallel_loop3A_92 = arith.constant 0 : i32
      %parallel_loop3A_93 = arith.constant 16384 : i32
      %parallel_loop3A_94 = arith.constant 16 : i32
      scf.for %parallel_loop3A_106 = %parallel_loop3A_92 to %parallel_loop3A_93 step %parallel_loop3A_94  : i32 {
        %parallel_loop3A_107 = arith.index_cast %parallel_loop3A_106 : i32 to index
        %parallel_loop3A_108 = tpu.vector_load %arg9[%parallel_loop3A_107] {strides = array<i32>} : memref<16384xf32, #tpu.memory_space<vmem>>, vector<16xf32>,
        %parallel_loop3A_109 = vector.shape_cast %parallel_loop3A_108 : vector<16xf32> to vector<16xf32>
        %parallel_loop3A_110 = vector.broadcast %scan3A : f32 to vector<16xf32>
        %parallel_loop3A_111 = arith.minimumf %parallel_loop3A_109, %parallel_loop3A_110 : vector<16xf32>
        %parallel_loop3A_112 = arith.constant 1.000000e+00 : f32
        %parallel_loop3A_113 = vector.broadcast %parallel_loop3A_112 : f32 to vector<16xf32>
        %parallel_loop3A_114 = arith.addf %parallel_loop3A_111, %parallel_loop3A_113 : vector<16xf32>
        %parallel_loop3A_115 = tpu.bitcast %parallel_loop3A_114 : vector<16xf32> -> vector<16xi32>
        %parallel_loop3A_116 = arith.constant 19 : i32
        %parallel_loop3A_117 = vector.broadcast %parallel_loop3A_116 : i32 to vector<16xi32>
        %parallel_loop3A_118 = arith.shrui %parallel_loop3A_115, %parallel_loop3A_117 : vector<16xi32>
        %parallel_loop3A_119 = arith.constant 15 : i32
        %parallel_loop3A_120 = vector.broadcast %parallel_loop3A_119 : i32 to vector<16xi32>
        %parallel_loop3A_121 = arith.andi %parallel_loop3A_118, %parallel_loop3A_120 : vector<16xi32>
        %parallel_loop3A_122 = vector.shape_cast %parallel_loop3A_121 : vector<16xi32> to vector<16x1xi32>
        %parallel_loop3A_123 = vector.shape_cast %parallel_loop3A_122 : vector<16x1xi32> to vector<16xi32>
        %parallel_loop3A_124 = tpu.dynamic_gather %sub3A_37[%parallel_loop3A_123] in [0] : vector<16xf32>, vector<16xi32> -> vector<16xf32>
        %parallel_loop3A_125 = vector.shape_cast %parallel_loop3A_121 : vector<16xi32> to vector<16x1xi32>
        %parallel_loop3A_126 = vector.shape_cast %parallel_loop3A_125 : vector<16x1xi32> to vector<16xi32>
        %parallel_loop3A_127 = tpu.dynamic_gather %mul3A_38[%parallel_loop3A_126] in [0] : vector<16xf32>, vector<16xi32> -> vector<16xf32>
        %parallel_loop3A_128 = arith.mulf %parallel_loop3A_109, %parallel_loop3A_127 : vector<16xf32>
        %parallel_loop3A_129 = arith.addf %parallel_loop3A_128, %parallel_loop3A_124 : vector<16xf32>
        %parallel_loop3A_130 = arith.index_cast %parallel_loop3A_106 : i32 to index
        %parallel_loop3A_131 = tpu.vector_load %arg11[%parallel_loop3A_130] {strides = array<i32>} : memref<16384xf32, #tpu.memory_space<vmem>>, vector<16xf32>,
        %parallel_loop3A_132 = vector.shape_cast %parallel_loop3A_131 : vector<16xf32> to vector<16xf32>
        %parallel_loop3A_133 = vector.shape_cast %parallel_loop3A_129 : vector<16xf32> to vector<16xf32>
        tpu.vector_store %arg11[%parallel_loop3A_130], %parallel_loop3A_133 {strides = array<i32>} : memref<16384xf32, #tpu.memory_space<vmem>>, vector<16xf32>,
      } {sc.loop_unroll_factor = 16 : i64, sc.parallel_access}
      %mul3A_95 = arith.constant 16384 : i32
      %mul3A_96 = arith.muli %add3A_81, %mul3A_95 : i32
      %add3A_97 = arith.addi %mul3A_2, %mul3A_96 : i32
      %dma_start3A_98 = tpu.memref_slice %arg5[%add3A_97] : memref<16777216xf32, #tpu.memory_space<hbm>> -> memref<16384xf32, #tpu.memory_space<hbm>>
      %dma_start3A_99 = tpu.memref_slice %arg5[%add3A_97] : memref<16777216xf32, #tpu.memory_space<hbm>> -> memref<16384xf32, #tpu.memory_space<hbm>>
      tpu.enqueue_dma source(%arg11 : memref<16384xf32, #tpu.memory_space<vmem>>) target(%dma_start3A_99 : memref<16384xf32, #tpu.memory_space<hbm>>) target_semaphore(%arg15 : memref<!tpu.dma_semaphore, #tpu.memory_space<semaphore_mem>>)
      %lt3A_100 = arith.constant 15 : i32
      %lt3A_101 = arith.cmpi slt, %scan3A_53, %lt3A_100 : i32
      %convert_element_type3A_102 = arith.extui %lt3A_101 : i1 to i32
      %cond3A_103 = arith.constant 0 : i32
      %cond3A_104 = arith.cmpi ne, %convert_element_type3A_102, %cond3A_103 : i32
      scf.if %cond3A_104 {
        %add3A_106 = arith.constant 2 : i32
        %add3A_107 = arith.addi %add3A_81, %add3A_106 : i32
        %mul3A_108 = arith.constant 16384 : i32
        %mul3A_109 = arith.muli %add3A_107, %mul3A_108 : i32
        %add3A_110 = arith.addi %mul3A_2, %mul3A_109 : i32
        %dma_start3A_111 = tpu.memref_slice %arg2[%add3A_110] : memref<16777216xf32, #tpu.memory_space<hbm>> -> memref<16384xf32, #tpu.memory_space<hbm>>
        %dma_start3A_112 = tpu.memref_slice %arg2[%add3A_110] : memref<16777216xf32, #tpu.memory_space<hbm>> -> memref<16384xf32, #tpu.memory_space<hbm>>
        tpu.enqueue_dma source(%dma_start3A_112 : memref<16384xf32, #tpu.memory_space<hbm>>) target(%arg9 : memref<16384xf32, #tpu.memory_space<vmem>>) target_semaphore(%arg13 : memref<!tpu.dma_semaphore, #tpu.memory_space<semaphore_mem>>)
      } else {
      }
      %scan3A_105 = arith.constant 0 : i32
      scf.yield %scan3A_105 : i32
    }
    %scan3A_45 = arith.constant 16 : i32
    %add3A_46 = arith.constant 491520 : i32
    %add3A_47 = arith.addi %mul3A_2, %add3A_46 : i32
    %dma_wait3A = tpu.memref_slice %arg5[%add3A_47] : memref<16777216xf32, #tpu.memory_space<hbm>> -> memref<16384xf32, #tpu.memory_space<hbm>>
    %dma_wait3A_48 = tpu.memref_slice %arg5[%add3A_47] : memref<16777216xf32, #tpu.memory_space<hbm>> -> memref<16384xf32, #tpu.memory_space<hbm>>
    tpu.wait_dma2 semaphore(%arg14 : memref<!tpu.dma_semaphore, #tpu.memory_space<semaphore_mem>>) src(%arg10 : memref<16384xf32, #tpu.memory_space<vmem>>) dst(%dma_wait3A_48 : memref<16384xf32, #tpu.memory_space<hbm>>)
    %add3A_49 = arith.constant 507904 : i32
    %add3A_50 = arith.addi %mul3A_2, %add3A_49 : i32
    %dma_wait3A_51 = tpu.memref_slice %arg5[%add3A_50] : memref<16777216xf32, #tpu.memory_space<hbm>> -> memref<16384xf32, #tpu.memory_space<hbm>>
    %dma_wait3A_52 = tpu.memref_slice %arg5[%add3A_50] : memref<16777216xf32, #tpu.memory_space<hbm>> -> memref<16384xf32, #tpu.memory_space<hbm>>
    tpu.wait_dma2 semaphore(%arg15 : memref<!tpu.dma_semaphore, #tpu.memory_space<semaphore_mem>>) src(%arg11 : memref<16384xf32, #tpu.memory_space<vmem>>) dst(%dma_wait3A_52 : memref<16384xf32, #tpu.memory_space<hbm>>)
    return
  }
}

</mosaic_0001>

<sc_bundles>
// kernel: kernel.3.cloned.1.call-start
scs
__scs_entry_jumppad:
0x0: {  	(pc) =	sbr.rel $0x88, $3  }
0x1: {  	(tag) =	ssettag $0x0;
	lr =	simm.s32 $0x1  }
0x2: {  	[smem:$0x3F9E] =	sst lr;
	_ =	strace $0xD0000000  }
0x3: {  	_ = 	snop  }
0x4: {  	_ = 	snop  }
0x5: {  	_ = 	snop  }
0x6: {  	_ = 	snop  }
0x7: {  	_ = 	snop  }
__scs_overlays_trampoline_lowered:
0x8: {  	[smem:$0x3FAD] =	sst s0  }
0x9: {  	[smem:$0x3FAE] =	sst s1  }
0xa: {  	[smem:$0x3FAF] =	sst s2  }
0xb: {  	[smem:$0x3FB0] =	sst s3  }
0xc: {  	[smem:$0x3FB1] =	sst s4  }
0xd: {  	[smem:$0x3FB2] =	sst s5  }
0xe: {  	[smem:$0x3FB3] =	sst s6  }
0xf: {  	[smem:$0x3FB4] =	sst s7  }
0x10: {  	[smem:$0x3FB5] =	sst s8  }
0x11: {  	[smem:$0x3FB6] =	sst s9;
	s0 =	simm.s32 @!p0 $0x0  }
0x12: {  	s1 =	sld [smem:$0x3F9C];
	s0 =	simm.s32 @p0 $0x1  }
0x13: {  	[smem:$0x3FB7] =	sst s0;
	s0 =	simm.s32 @!p1 $0x0  }
0x14: {  	s2 =	sld [smem:$0x3F9B];
	s0 =	simm.s32 @p1 $0x1  }
0x15: {  	[smem:$0x3FB8] =	sst s0;
	s0 =	simm.s32 @!p2 $0x0  }
0x16: {  	s3 =	sld [smem:$0x3FDB];
	s0 =	simm.s32 @p2 $0x1  }
0x17: {  	s4 =	simm.s32 $0x1BF5;
	[smem:$0x3FBA] =	sst s0  }
0x18: {  	s0 =	sld [smem:$0x3F9D];
	_ =	swait.ge [sflag:s4], $0x0  }
0x19: {  	s7 =	sld [smem:$0x3F9E]  }
0x1a: {  	s8 =	sadd.s32 $0xFFFFE003, lr  }
0x1b: {  	s9 =	sadd.s32 $0xFFFFFEF7, lr;
	s5 =	simm.s32 $0xFFFFFFFF;
	p2 =	slt.u32 s8, $0xFFFFF086  }
0x1c: {  	p1 =	slt.u32 s9, $0xF7A;
	s5 =	simm.s32 @!p2 $0x0  }
0x1d: {  	s5 =	simm.s32 @p1 $0x1;
	p0 =	seq.s32 s7, s2  }
0x1e: {  	s7 =	smul.u32 @!p0 $0xF7A, s2;
	p2 =	seq.s32 @!p0 s5, $0x0  }
0x1f: {  	s9 =	smul.u32 $0xF7A, s1;
	s8 =	simm.s32 @!p0 $0x1BF5;
	p2 =	por !p2, p0  }
0x20: {  	[sflag:s8] =	ssyncset.s32 @!p0 $0xFFFFF086;
	s6 =	sadd.s32 @!p0 s3, s7;
	s7 =	simm.s32 @!p0 $0x108  }
0x21: {  	s3 =	sadd.s32 s3, s9;
	s6 =	sadd.s32 @!p0 $0x88, s6;
	s7 =	simm.s32 @p2 $0x1082  }
0x22: {  	[simem:s7], [sflag:s8] =	dma.local @!p0 [hbm:s6], $0xF7A  }
0x23: {  	s9 =	sor.u32 $0xD0000000, s2;
	s6 =	simm.s32 $0x108;
	_ =	swait.ge @!p0 [sflag:s8], $0x0  }
0x24: {  	s3 =	sadd.s32 $0x88, s3;
	s6 =	simm.s32 @!p1 $0x1082;
	[sflag:s4] =	ssyncset.s32 $0xFFFFF086  }
0x25: {  	[simem:s6], [sflag:s4] =	dma.local [hbm:s3], $0xF7A  }
0x26: {  	[smem:$0x3F9E] =	sst s1;
	(tag) =	ssettag s2;
	_ =	strace s9  }
0x27: {  	s1 =	sld [smem:$0x3FAE]  }
0x28: {  	s2 =	sld [smem:$0x3FAF]  }
0x29: {  	s4 =	sld [smem:$0x3FB1]  }
0x2a: {  	p0 =	seq.s32 s5, $0x0;
	s5 =	sld [smem:$0x3FB2]  }
0x2b: {  	s6 =	sld [smem:$0x3FB3]  }
0x2c: {  	s7 =	sld [smem:$0x3FB4]  }
0x2d: {  	s3 =	simm.s32 $0x108;
	s8 =	sld [smem:$0x3FB5]  }
0x2e: {  	s3 =	simm.s32 @!p0 $0x1082;
	s9 =	sld [smem:$0x3FB6]  }
0x2f: {  	lr =	sadd.s32 s0, s3;
	s0 =	sld [smem:$0x3FAD]  }
0x30: {  	s3 =	sld [smem:$0x3FB0]  }
0x31: {  	[smem:$0x3FB9] =	sst s10  }
0x32: {  	s10 =	sld [smem:$0x3FB7];
	_ =	sdelay $0x3  }
0x33: {  	p0 =	seq.s32 s10, $0x1;
	s10 =	sld [smem:$0x3FB9];
	_ =	sdelay $0x3  }
0x34: {  	[smem:$0x3FB9] =	sst s10  }
0x35: {  	s10 =	sld [smem:$0x3FB8];
	_ =	sdelay $0x3  }
0x36: {  	p1 =	seq.s32 s10, $0x1;
	s10 =	sld [smem:$0x3FB9];
	_ =	sdelay $0x3  }
0x37: {  	[smem:$0x3FB9] =	sst s10  }
0x38: {  	s10 =	sld [smem:$0x3FBA]  }
0x39: {  	_ = 	snop;
	(pc) =	sbr.ind lr, $3  }
0x3a: {  	_ = 	snop  }
0x3b: {  	_ = 	snop  }
0x3c: {  	p2 =	seq.s32 s10, $0x1;
	s10 =	sld [smem:$0x3FB9]  }
0x3d: {  	_ =	shalt  }
0x3e: {  	_ =	shalt  }
0x3f: {  	_ =	shalt  }
0x40: {  	_ =	shalt  }
0x41: {  	_ =	shalt  }
0x42: {  	_ =	shalt  }
0x43: {  	_ =	shalt  }
0x44: {  	_ =	shalt  }
0x45: {  	_ =	shalt  }
0x46: {  	_ =	shalt  }
0x47: {  	_ =	shalt  }
0x48: {  	_ =	shalt  }
0x49: {  	_ =	shalt  }
0x4a: {  	_ =	shalt  }
0x4b: {  	_ =	shalt  }
0x4c: {  	_ =	shalt  }
0x4d: {  	_ =	shalt  }
0x4e: {  	_ =	shalt  }
0x4f: {  	_ =	shalt  }
0x50: {  	_ =	shalt  }
0x51: {  	_ =	shalt  }
0x52: {  	_ =	shalt  }
0x53: {  	_ =	shalt  }
0x54: {  	_ =	shalt  }
0x55: {  	_ =	shalt  }
0x56: {  	_ =	shalt  }
0x57: {  	_ =	shalt  }
0x58: {  	_ =	shalt  }
0x59: {  	_ =	shalt  }
0x5a: {  	_ =	shalt  }
0x5b: {  	_ =	shalt  }
0x5c: {  	_ =	shalt  }
0x5d: {  	_ =	shalt  }
0x5e: {  	_ =	shalt  }
0x5f: {  	_ =	shalt  }
0x60: {  	_ =	shalt  }
0x61: {  	_ =	shalt  }
0x62: {  	_ =	shalt  }
0x63: {  	_ =	shalt  }
0x64: {  	_ =	shalt  }
0x65: {  	_ =	shalt  }
0x66: {  	_ =	shalt  }
0x67: {  	_ =	shalt  }
0x68: {  	_ =	shalt  }
0x69: {  	_ =	shalt  }
0x6a: {  	_ =	shalt  }
0x6b: {  	_ =	shalt  }
0x6c: {  	_ =	shalt  }
0x6d: {  	_ =	shalt  }
0x6e: {  	_ =	shalt  }
0x6f: {  	_ =	shalt  }
0x70: {  	_ =	shalt  }
0x71: {  	_ =	shalt  }
0x72: {  	_ =	shalt  }
0x73: {  	_ =	shalt  }
0x74: {  	_ =	shalt  }
0x75: {  	_ =	shalt  }
0x76: {  	_ =	shalt  }
0x77: {  	_ =	shalt  }
0x78: {  	_ =	shalt  }
0x79: {  	_ =	shalt  }
0x7a: {  	_ =	shalt  }
0x7b: {  	_ =	shalt  }
0x7c: {  	_ =	shalt  }
0x7d: {  	_ =	shalt  }
0x7e: {  	_ =	shalt  }
0x7f: {  	_ =	shalt  }
0x80: {  	_ =	shalt  }
0x81: {  	_ =	shalt  }
0x82: {  	_ =	shalt  }
0x83: {  	_ =	shalt  }
0x84: {  	_ =	shalt  }
0x85: {  	_ =	shalt  }
0x86: {  	_ =	shalt  }
0x87: {  	_ =	shalt  }
.Lfunc_end0:
.L_simem_size_0:
called_computation_lowered:
.L_overlay_start_0:
0x88: {  	s2 =	sld [smem:$0x3FD9]  }
0x89: {  	s3 =	sld [smem:$0x3FFE];
	_ =	sdelay $0x1  }
0x8a: {  	s1 =	srdreg.scid  }
0x8b: {  	s0 =	sand.u32 $0x1, s1  }
0x8c: {  	s18 =	sshll.u32 s0, $0xA;
	s2 =	sadd.s32 s3, s2  }
0x8d: {  	s2 =	sadd.s32 s2, s18  }
0x8e: {  	[smem:$0x3FC5] =	sst s2  }
0x8f: {  	_ = 	snop  }
0x90: {  	s2 =	sld [smem:$0x3FC9]  }
0x91: {  	s19 =	sld [smem:$0x3FC8]  }
0x92: {  	s4 =	sld [smem:$0x3FC7]  }
0x93: {  	s5 =	sld [smem:$0x3FD0];
	(tm) =	ssettm $0x1  }
0x94: {  	s6 =	sld [smem:$0x3FFB];
	_ =	sdelay $0x3  }
0x95: {  	_ =	strace s6  }
0x96: {  	s6 =	sld [smem:$0x3FFC];
	_ =	sdelay $0x3  }
0x97: {  	_ =	strace s6  }
0x98: {  	s6 =	sld [smem:$0x3FFD];
	_ =	sdelay $0x3  }
0x99: {  	_ =	strace s6  }
0x9a: {  	_ =	strace $0x8FFFFFFF  }
0x9b: {  	s20 =	sld [smem:$0x3FDB];
	_ =	sdelay $0x1  }
0x9c: {  	s7 =	simm.s32 $_scs_section_size  }
0x9d: {  	s8 =	simm.s32 $_size__tile_overlayer_lowered;
	s9 =	simm.s32 $_tile_overlayer_lowered  }
0x9e: {  	s23 =	simm.s32 $0x1BFF;
	s22 =	sshll.u32 s9, $0x1;
	s6 =	sadd.s32 s7, s20  }
0x9f: {  	s10 =	simm.s32 $0x0;
	s21 =	sshll.u32 s8, $0x1;
	s8 =	sadd.s32 s22, s6  }
0xa0: {  	[timem:s10], [sflag:s23] =	dma.local [hbm:s8], s21  }
0xa1: {  	_ =	swait.ge [sflag:s23], s21  }
0xa2: {  	s7 =	ssub.s32 $0x0, s21;
	[sflag:s23] =	ssyncset.done $0x0  }
0xa3: {  	[sflag:s23] =	ssyncadd.s32 s7;
	_ =	sdelay $0x1  }
0xa4: {  	s24 =	simm.s32 $0x1B8B  }
0xa5: {  	_ =	swait.ge [sflag:s24], $0x1  }
0xa6: {  	[sflag:s24] =	ssyncset.done $0x0  }
0xa7: {  	s25 =	simm.s32 $0x1B8E;
	[sflag:s24] =	ssyncadd.s32 $0xFFFFFFFF  }
0xa8: {  	s26 =	simm.s32 $execute0_lowered;
	[smem:$0x3FD2] =	sst s25  }
0xa9: {  	s7 =	sshll.u32 s26, $0x1;
	_ =	strace $0x80000046;
	[dreg:$0x1] =	wrdreg $0xFFFFFFFF  }
0xaa: {  	s28 =	simm.s32 $_size_execute0_lowered;
	s6 =	sadd.s32 s6, s7;
	[dreg:$0x0] =	wrdreg $0x0  }
0xab: {  	s7 =	sshll.u32 s28, $0x1;
	[dreg:$0x2] =	wrdreg s6  }
0xac: {  	[dreg:$0x3] =	wrdreg s7  }
0xad: {  	[dreg:$0x4] =	wrdreg $0xC0  }
0xae: {  	_ =	task [dreg:s10], $0x5FFFF  }
0xaf: {  	[dreg:$0x1] =	wrdreg $0xFFFFFFFF  }
0xb0: {  	[dreg:$0x0] =	wrdreg $0x60  }
0xb1: {  	[dreg:$0x2] =	wrdreg s2  }
0xb2: {  	[dreg:$0x3] =	wrdreg s19  }
0xb3: {  	[dreg:$0x4] =	wrdreg s4  }
0xb4: {  	[dreg:$0x5] =	wrdreg s5  }
0xb5: {  	[dreg:$0x6] =	wrdreg $0x9  }
0xb6: {  	_ =	task.clear_ibuf [dreg:s10], $0x7FFFF;
	_ =	strace $0x90000046  }
0xb7: {  	s29 =	simm.s32 $0x9;
	_ =	strace $0x80000048  }
0xb8: {  	_ =	swait.ge [sflag:s29], $0x1  }
0xb9: {  	[sflag:s29] =	ssyncadd.s32 $0xFFFFFFFF  }
0xba: {  	_ =	strace $0x90000048  }
0xbb: {  	_ =	sfence  }
0xbc: {  	s30 =	sld [smem:$0x0];
	_ =	sdelay $0x2  }
0xbd: {  	s31 =	sshll.u32 s1, $0xD;
	s1 =	sshrl.u32 s1, $0x2  }
0xbe: {  	s3 =	sand.u32 $0x4000, s31;
	s1 =	sadd.s32 s1, s30  }
0xbf: {  	s0 =	sor.u32 s3, s0;
	s1 =	sshll.u32 s1, $0x11  }
0xc0: {  	s0 =	sor.u32 s1, s0  }
0xc1: {  	s0 =	sadd.s32 $0x8F2B, s0  }
0xc2: {  	[sflag:s0] =	ssyncadd.remote.s32 $0x1  }
0xc3: {  	_ =	sfence.sel $0xFFFF  }
0xc4: {  	[dreg:$0x0] =	wrdreg $0xFFFFFFFF;
	(pc) =	sbr.abs _section_cstart, $3  }
0xc5: {  	[dreg:$0x1] =	wrdreg $0xFFFFFFFF  }
0xc6: {  	_ =	task.clear_ibuf [dreg:s10], $0x2FFFF;
	_ =	strace $0x9FFFFFFF  }
0xc7: {  	(tm) =	ssettm $0x7FFFFFFF  }
tec
execute0_lowered:
.L_overlay_start_1:
0x0: {  	(tag) =	ssettag $0x1  }
0x1: {  	v0 =	vimm.f32 $1.500000000e+01;
	vm0 =	vcmask $0x300  }
0x2: {  	vm14 =	vcmask $0x704;
	v0 =	vsel vm0, $0x0, v0  }
0x3: {  	vm15 =	vcmask $0xB08;
	s0 =	rddreg [dreg:$0x0];
	v0 =	vsel vm14, $0x3F800000, v0  }
0x4: {  	vm4 =	vcmask $0xF0C;
	s1 =	rddreg [dreg:$0x1];
	v0 =	vsel vm15, $0x40000000, v0  }
0x5: {  	vm5 =	vcmask $0x1310;
	s2 =	rddreg [dreg:$0x2];
	v0 =	vsel vm4, $0x40400000, v0  }
0x6: {  	s4 =	srdreg.scid;
	vm6 =	vcmask $0x1714;
	s5 =	rddreg [dreg:$0x3];
	v0 =	vsel vm5, $0x40800000, v0  }
0x7: {  	s3 =	stileid.u32;
	vm7 =	vcmask $0x1B18;
	s6 =	simm.s32 $0x0;
	s13 =	simm.s32 $0x100;
	v0 =	vsel vm6, $0x40A00000, v0  }
0x8: {  	vm8 =	vcmask $0x1F1C;
	s14 =	simm.s32 $0x4100;
	s15 =	simm.s32 $0x5;
	s16 =	simm.s32 $0x80;
	v0 =	vsel vm7, $0x40C00000, v0  }
0x9: {  	vm9 =	vcmask $0x2320;
	s17 =	simm.s32 $0x1;
	s18 =	simm.s32 $0x8100;
	s19 =	simm.s32 $0x2;
	v0 =	vsel vm8, $0x40E00000, v0  }
0xa: {  	vm10 =	vcmask $0x2724;
	s20 =	simm.s32 $0x4;
	s21 =	simm.s32 $0xC100;
	s22 =	simm.s32 $0x3;
	v0 =	vsel vm9, $0x41000000, v0  }
0xb: {  	vm11 =	vcmask $0x2B28;
	s23 =	simm.s32 $0x0;
	s7 =	sand.u32 $0x1, s4;
	s4 =	rddreg [dreg:$0x4];
	v0 =	vsel vm10, $0x41100000, v0  }
.Ltmp0:
0xc: {  	vm12 =	vcmask $0x2F2C;
	s8 =	sshll.u32 s3, $0x14;
	s9 =	sshll.u32 s7, $0x13;
	v0 =	vsel vm11, $0x41200000, v0;
	(pc) =	sbr.rel .LBB2_1-.Ltmp0, $4  }
0xd: {  	vm13 =	vcmask $0x3330;
	[smem:$0x7FF] =	sst s6;
	s10 =	ssub.s32 $0x2, s7;
	s7 =	sor.u32 s9, s8;
	v0 =	vsel vm12, $0x41300000, v0  }
0xe: {  	_ =	strace $0x80000047;
	vm14 =	vcmask $0x3734;
	s31 =	sshrl.u32 s10, $0x1;
	s9 =	sshrl.u32 s7, $0x3;
	v0 =	vsel vm13, $0x41400000, v0  }
0xf: {  	vm15 =	vcmask $0x3B38;
	s12 =	ssub.s32 s10, s31;
	s10 =	sor.u32 $0x8000, s7;
	s8 =	sadd.s32 s0, s9;
	v2 =	vsel vm14, $0x41500000, v0  }
0x10: {  	v1 =	vimm.s32 $0xF;
	s11 =	sor.u32 $0xC000, s7;
	s12 =	smax.u32 s12, $0x1;
	s9 =	sadd.s32 $0x800, s8;
	v0 =	vimm.s32 $0x0;
	v2 =	vsel vm15, $0x41600000, v2  }
.LBB2_12:
0x11: {  	s23 =	sadd.s32 $0x1, s23  }
0x12: {  	_ =	swait.ge [sflag:s22], $0x4000;
	p0 =	sne.s32 s23, s12  }
.Ltmp1:
0x13: {  	[sflag:s22] =	ssyncset.done $0x0;
	(pc) =	sbr.rel @!p0 .LBB2_13-.Ltmp1, $4  }
0x14: {  	[sflag:s22] =	ssyncadd.s32 $0xFFFFC000  }
0x15: {  	_ =	swait.ge [sflag:s20], $0x4000  }
0x16: {  	[sflag:s20] =	ssyncset.done $0x0  }
0x17: {  	[sflag:s20] =	ssyncadd.s32 $0xFFFFC000  }
.LBB2_1:
0x18: {  	[tilespmem:s13], [sflag:$0x1] =	stream.linear.gather [hbm4b:s8+s6], $0x4000, $0x38;
	[tilespmem:$0x10100] =	vst v63  }
0x19: {  	_ = 	snop  }
0x1a: {  	[tilespmem:s14], [sflag:$0x2] =	stream.linear.gather [hbm4b:s9+s6], $0x4000, $0x38;
	[tilespmem:$0x10100] =	vst v63  }
0x1b: {  	_ = 	snop  }
0x1c: {  	[tilespmem:s6], [sflag:$0x5] =	stream.linear.gather [hbm4b:s1+s6], $0x80, $0x38;
	[tilespmem:$0x10100] =	vst v63  }
0x1d: {  	_ =	swait.ge [sflag:s15], $0x80  }
0x1e: {  	[sflag:s15] =	ssyncset.done $0x0  }
0x1f: {  	[sflag:s15] =	ssyncadd.s32 $0xFFFFFF80  }
0x20: {  	[tilespmem:s16], [sflag:$0x5] =	stream.linear.gather [hbm4b:s2+s6], $0x80, $0x38;
	[tilespmem:$0x10100] =	vst v63  }
0x21: {  	_ =	swait.ge [sflag:s15], $0x80  }
0x22: {  	[sflag:s15] =	ssyncset.done $0x0  }
0x23: {  	[sflag:s15] =	ssyncadd.s32 $0xFFFFFF80  }
0x24: {  	v3 =	vld [tilespmem:$0x1]  }
0x25: {  	v4 =	vld [tilespmem:$0x0];
	_ =	sdelay $0x4  }
0x26: {  	v4 =	vperm.xlane v4, v0;
	v3 =	vperm.xlane v3, v1;
	_ =	sdelay $0x1  }
0x27: {  	v3 =	vsub.f32 v3, v4;
	_ =	sdelay $0x1  }
0x28: {  	(erf) = vrcp.f32 v3;
	_ =	sdelay $0x7  }
0x29: {  	v5 =	vld [tilespmem:$0x81]  }
0x2a: {  	v3 =	vld [tilespmem:$0x80];
	v6 =	vpop (erf)  }
0x2b: {  	v4 =	vsub.f32 $0.0e+00, v4;
	v6 =	vmul.f32 $1.600000000e+01, v6;
	_ =	sdelay $0x1  }
0x2c: {  	v4 =	vmul.f32 v6, v4;
	_ =	sdelay $0x1  }
0x2d: {  	v5 =	vsub.f32 v5, v3;
	v4 =	vsub.f32 v2, v4;
	_ =	sdelay $0x1  }
0x2e: {  	v4 =	vmul.f32 v4, v5;
	_ =	sdelay $0x1  }
0x2f: {  	s24 =	simm.s32 $0x0;
	v3 =	vsub.f32 v3, v4;
	v4 =	vmul.f32 v6, v5  }
.LBB2_2:
0x30: {  	_ =	swait.ge [sflag:s17], $0x4000  }
0x31: {  	p0 =	seq.s32 s24, $0x0;
	[sflag:s17] =	ssyncset.done $0x0  }
0x32: {  	s25 =	simm.s32 @!p0 $0x3;
	[sflag:s17] =	ssyncadd.s32 $0xFFFFC000  }
0x33: {  	_ =	swait.ge @!p0 [sflag:s25], $0x4000  }
0x34: {  	[sflag:s25] =	ssyncset.done @!p0 $0x0  }
0x35: {  	s26 =	simm.s32 $0x180;
	[sflag:s25] =	ssyncadd.s32 @!p0 $0xFFFFC000  }
0x36: {  	v14 =	vld [tilespmem:s26+$0xFFFFFF80]  }
0x37: {  	v15 =	vld [tilespmem:s26+$0x50]  }
0x38: {  	v16 =	vld [tilespmem:s26+$0x30]  }
0x39: {  	v19 =	vld [tilespmem:s26+$0x60]  }
0x3a: {  	v20 =	vld [tilespmem:s26+$0xFFFFFFA0]  }
0x3b: {  	v9 =	vld [tilespmem:s26+$0x70]  }
0x3c: {  	v28 =	vld [tilespmem:s26+$0xFFFFFF90]  }
0x3d: {  	v10 =	vld [tilespmem:s26+$0x40]  }
0x3e: {  	v5 =	vmin.f32 v14, $9.999998800e-01;
	v6 =	vmin.f32 v16, $9.999998800e-01  }
0x3f: {  	v12 =	vld [tilespmem:s26+$0x0];
	v11 =	vmin.f32 v15, $9.999998800e-01;
	v17 =	vmin.f32 v19, $9.999998800e-01;
	v18 =	vmin.f32 v20, $9.999998800e-01  }
0x40: {  	v21 =	vmin.f32 v9, $9.999998800e-01;
	v13 =	vadd.f32 $1.000000000e+00, v5;
	v7 =	vadd.f32 $1.000000000e+00, v6  }
0x41: {  	v23 =	vmin.f32 v28, $9.999998800e-01;
	v11 =	vadd.f32 $1.000000000e+00, v11;
	v18 =	vadd.f32 $1.000000000e+00, v18  }
0x42: {  	v5 =	vmin.f32 v10, $9.999998800e-01;
	v21 =	vadd.f32 $1.000000000e+00, v21;
	v17 =	vadd.f32 $1.000000000e+00, v17  }
0x43: {  	v8 =	vadd.f32 $1.000000000e+00, v5;
	v24 =	vshrl.u32 v7, $0x13;
	v7 =	vshrl.u32 v11, $0x13  }
0x44: {  	v6 =	vld [tilespmem:s26+$0xFFFFFFD0];
	v11 =	vadd.f32 $1.000000000e+00, v23;
	v23 =	vmin.f32 v12, $9.999998800e-01;
	v21 =	vshrl.u32 v21, $0x13  }
0x45: {  	v18 =	vshrl.u32 v18, $0x13;
	v13 =	vshrl.u32 v13, $0x13;
	v22 =	vshrl.u32 v8, $0x13  }
0x46: {  	v5 =	vld [tilespmem:s26+$0xFFFFFFB0];
	v27 =	vand.u32 $0xF, v7;
	v21 =	vand.u32 $0xF, v21;
	v32 =	vand.u32 $0xF, v18  }
0x47: {  	v26 =	vld [tilespmem:s26+$0x20];
	v23 =	vadd.f32 $1.000000000e+00, v23;
	v24 =	vand.u32 $0xF, v24;
	v22 =	vand.u32 $0xF, v22  }
0x48: {  	v29 =	vperm.xlane v4, v21;
	v34 =	vshrl.u32 v11, $0x13;
	v43 =	vperm.xlane v3, v32  }
0x49: {  	v8 =	vld [tilespmem:s26+$0xFFFFFFE0];
	v32 =	vperm.xlane v4, v32;
	v25 =	vmin.f32 v6, $9.999998800e-01;
	v31 =	vperm.xlane v4, v22  }
0x4a: {  	v38 =	vperm.xlane v3, v22;
	v22 =	vand.u32 $0xF, v13;
	v13 =	vperm.xlane v3, v24  }
0x4b: {  	v34 =	vand.u32 $0xF, v34;
	v24 =	vperm.xlane v4, v24;
	v7 =	vmin.f32 v5, $9.999998800e-01  }
0x4c: {  	v33 =	vld [tilespmem:s26+$0xFFFFFFF0];
	v29 =	vmul.f32 v29, v9;
	v9 =	vadd.f32 $1.000000000e+00, v25;
	v25 =	vmin.f32 v26, $9.999998800e-01  }
0x4d: {  	v40 =	vperm.xlane v4, v22;
	v30 =	vadd.f32 $1.000000000e+00, v7;
	v31 =	vmul.f32 v31, v10  }
0x4e: {  	v7 =	vld [tilespmem:s26+$0x10];
	v10 =	vperm.xlane v3, v27;
	v27 =	vperm.xlane v4, v27;
	v18 =	vmin.f32 v8, $9.999998800e-01  }
0x4f: {  	v9 =	vshrl.u32 v9, $0x13;
	v14 =	vmul.f32 v40, v14;
	v35 =	vadd.f32 $1.000000000e+00, v18  }
0x50: {  	v11 =	vshrl.u32 v30, $0x13;
	v18 =	vshrl.u32 v23, $0x13;
	v23 =	vadd.f32 $1.000000000e+00, v25  }
0x51: {  	v30 =	vperm.xlane v3, v21;
	v25 =	vmin.f32 v33, $9.999998800e-01;
	v36 =	vand.u32 $0xF, v18  }
0x52: {  	v25 =	vadd.f32 $1.000000000e+00, v25;
	v18 =	vperm.xlane v4, v36;
	v23 =	vshrl.u32 v23, $0x13  }
0x53: {  	v29 =	vadd.f32 v29, v30;
	v21 =	vmin.f32 v7, $9.999998800e-01;
	v37 =	vand.u32 $0xF, v23  }
0x54: {  	v23 =	vshrl.u32 v25, $0x13;
	v39 =	vmul.f32 v18, v12;
	v18 =	vand.u32 $0xF, v9  }
0x55: {  	v25 =	vperm.xlane v4, v37;
	v41 =	vand.u32 $0xF, v23;
	v23 =	vperm.xlane v3, v34  }
0x56: {  	v21 =	vadd.f32 $1.000000000e+00, v21;
	v30 =	vperm.xlane v3, v37;
	v12 =	vperm.xlane v3, v18  }
0x57: {  	v31 =	vadd.f32 v31, v38;
	v18 =	vperm.xlane v4, v18;
	v42 =	vmul.f32 v25, v26  }
0x58: {  	v9 =	vld [tilespmem:s26+$0xFFFFFFC0];
	v26 =	vperm.xlane v4, v41;
	v61 =	vshrl.u32 v21, $0x13;
	v25 =	vshrl.u32 v35, $0x13  }
0x59: {  	v21 =	vmul.f32 v27, v15;
	v15 =	vperm.xlane v3, v22;
	v27 =	vshrl.u32 v17, $0x13  }
0x5a: {  	v22 =	vmul.f32 v24, v16;
	v24 =	vperm.xlane v3, v36;
	v16 =	vand.u32 $0xF, v27  }
0x5b: {  	v63 =	vand.u32 $0xF, v61;
	v26 =	vmul.f32 v26, v33;
	v27 =	vperm.xlane v4, v16  }
0x5c: {  	s28 =	simm.s32 $0x8180;
	v14 =	vadd.f32 v14, v15;
	v15 =	vmul.f32 v32, v20;
	v16 =	vperm.xlane v3, v16  }
0x5d: {  	[tilespmem:s28+$0x70] =	vst v29;
	v20 =	vperm.xlane v3, v41;
	v62 =	vmin.f32 v9, $9.999998800e-01;
	v19 =	vmul.f32 v27, v19  }
0x5e: {  	v17 =	vadd.f32 $1.000000000e+00, v62;
	[tilespmem:s28+$0xFFFFFF80] =	vst v14;
	v14 =	vperm.xlane v4, v34;
	v29 =	vadd.f32 v15, v43  }
0x5f: {  	s29 =	simm.s32 $0x0;
	s25 =	sshll.u32 s24, $0xF;
	[tilespmem:s28+$0x40] =	vst v31;
	v27 =	vadd.f32 v39, v24;
	v24 =	vperm.xlane v3, v63;
	v15 =	vadd.f32 v19, v16  }
0x60: {  	s30 =	simm.s32 $0x280;
	s31 =	simm.s32 $0x8180;
	s26 =	sor.u32 s7, s25;
	v28 =	vmul.f32 v14, v28;
	[tilespmem:s28+$0xFFFFFFA0] =	vst v29;
	v19 =	vperm.xlane v4, v63;
	v16 =	vadd.f32 v42, v30  }
.LBB2_3:
0x61: {  	v14 =	vld [tilespmem:s30+$0xFFFFFF80];
	s29 =	sadd.s32 $0x100, s29;
	v17 =	vshrl.u32 v17, $0x13;
	v25 =	vand.u32 $0xF, v25;
	v20 =	vadd.f32 v26, v20;
	[tilespmem:s28+$0x0] =	vst v27;
	s31 =	sadd.s32 $0x100, s31  }
0x62: {  	v26 =	vld [tilespmem:s30+$0x70];
	p1 =	slt.u32 s29, $0x3F00;
	v23 =	vadd.f32 v28, v23;
	v27 =	vand.u32 $0xF, v17;
	v28 =	vperm.xlane v4, v25;
	[tilespmem:s28+$0x60] =	vst v15  }
0x63: {  	v11 =	vand.u32 $0xF, v11;
	v25 =	vperm.xlane v3, v25;
	v17 =	vld [tilespmem:s30+$0x50];
	v29 =	vperm.xlane v4, v27;
	[tilespmem:s28+$0x20] =	vst v16  }
0x64: {  	v10 =	vadd.f32 v21, v10;
	v30 =	vperm.xlane v3, v11;
	v27 =	vperm.xlane v3, v27;
	v15 =	vld [tilespmem:s30+$0x30];
	[tilespmem:s28+$0xFFFFFFF0] =	vst v20  }
0x65: {  	v6 =	vmul.f32 v18, v6;
	v13 =	vadd.f32 v22, v13;
	v11 =	vperm.xlane v4, v11;
	v21 =	vld [tilespmem:s30+$0x40];
	[tilespmem:s28+$0xFFFFFF90] =	vst v23  }
0x66: {  	v8 =	vmul.f32 v28, v8;
	v9 =	vmul.f32 v29, v9;
	v18 =	vmin.f32 v14, $9.999998800e-01;
	v16 =	vld [tilespmem:s30+$0x60];
	[tilespmem:s28+$0x50] =	vst v10  }
0x67: {  	v7 =	vmul.f32 v19, v7;
	v6 =	vadd.f32 v6, v12;
	v5 =	vmul.f32 v11, v5;
	v20 =	vld [tilespmem:s30+$0xFFFFFFA0];
	[tilespmem:s28+$0x30] =	vst v13  }
0x68: {  	v8 =	vadd.f32 v8, v25;
	v10 =	vadd.f32 v9, v27;
	v12 =	vld [tilespmem:s30+$0x0]  }
0x69: {  	v11 =	vadd.f32 v7, v24;
	v13 =	vadd.f32 $1.000000000e+00, v18;
	v19 =	vld [tilespmem:s30+$0xFFFFFF90];
	v9 =	vmin.f32 v15, $9.999998800e-01;
	[tilespmem:s28+$0xFFFFFFD0] =	vst v6  }
0x6a: {  	v22 =	vadd.f32 v5, v30;
	v7 =	vld [tilespmem:s30+$0x10];
	v18 =	vadd.f32 $1.000000000e+00, v9;
	v9 =	vmin.f32 v21, $9.999998800e-01;
	[tilespmem:s28+$0xFFFFFFE0] =	vst v8  }
0x6b: {  	v6 =	vld [tilespmem:s30+$0xFFFFFFD0];
	v8 =	vadd.f32 $1.000000000e+00, v9;
	v9 =	vmin.f32 v17, $9.999998800e-01;
	v23 =	vmin.f32 v16, $9.999998800e-01;
	[tilespmem:s28+$0x10] =	vst v11  }
0x6c: {  	v25 =	vmin.f32 v26, $9.999998800e-01;
	v11 =	vmin.f32 v20, $9.999998800e-01;
	v5 =	vld [tilespmem:s30+$0xFFFFFFB0];
	v24 =	vadd.f32 $1.000000000e+00, v9;
	[tilespmem:s28+$0xFFFFFFB0] =	vst v22  }
0x6d: {  	v25 =	vadd.f32 $1.000000000e+00, v25;
	v11 =	vadd.f32 $1.000000000e+00, v11;
	v9 =	vld [tilespmem:s30+$0xFFFFFFC0];
	v22 =	vshrl.u32 v8, $0x13;
	[tilespmem:s28+$0xFFFFFFC0] =	vst v10;
	s28 =	smov.u32 s31  }
0x6e: {  	v18 =	vshrl.u32 v18, $0x13;
	v10 =	vmin.f32 v19, $9.999998800e-01;
	v8 =	vld [tilespmem:s30+$0xFFFFFFE0];
	v24 =	vshrl.u32 v24, $0x13  }
0x6f: {  	v25 =	vshrl.u32 v25, $0x13;
	v27 =	vadd.f32 $1.000000000e+00, v10;
	v10 =	vmin.f32 v12, $9.999998800e-01  }
0x70: {  	v25 =	vand.u32 $0xF, v25;
	v24 =	vand.u32 $0xF, v24;
	v28 =	vmin.f32 v6, $9.999998800e-01;
	v29 =	vld [tilespmem:s30+$0x20]  }
0x71: {  	v31 =	vperm.xlane v4, v25;
	v22 =	vand.u32 $0xF, v22;
	v30 =	vmin.f32 v5, $9.999998800e-01  }
0x72: {  	v11 =	vshrl.u32 v11, $0x13;
	v32 =	vperm.xlane v4, v22;
	v30 =	vadd.f32 $1.000000000e+00, v30  }
0x73: {  	v31 =	vmul.f32 v31, v26;
	v33 =	vand.u32 $0xF, v11;
	v11 =	vmin.f32 v8, $9.999998800e-01  }
0x74: {  	v34 =	vadd.f32 $1.000000000e+00, v10;
	v26 =	vadd.f32 $1.000000000e+00, v28;
	v32 =	vmul.f32 v32, v21;
	v28 =	vld [tilespmem:s30+$0xFFFFFFF0]  }
0x75: {  	v35 =	vadd.f32 $1.000000000e+00, v23;
	v10 =	vperm.xlane v3, v24;
	v21 =	vmin.f32 v29, $9.999998800e-01  }
0x76: {  	v24 =	vperm.xlane v4, v24;
	v23 =	vshrl.u32 v27, $0x13;
	v27 =	vadd.f32 $1.000000000e+00, v11  }
0x77: {  	v36 =	vperm.xlane v3, v25;
	v11 =	vshrl.u32 v30, $0x13;
	v30 =	vand.u32 $0xF, v18  }
0x78: {  	v25 =	vmin.f32 v7, $9.999998800e-01;
	v18 =	vshrl.u32 v34, $0x13;
	v21 =	vadd.f32 $1.000000000e+00, v21  }
0x79: {  	v26 =	vshrl.u32 v26, $0x13;
	v37 =	vand.u32 $0xF, v18;
	v34 =	vmin.f32 v28, $9.999998800e-01  }
0x7a: {  	v13 =	vshrl.u32 v13, $0x13;
	v18 =	vperm.xlane v4, v37;
	v21 =	vshrl.u32 v21, $0x13  }
0x7b: {  	v39 =	vperm.xlane v3, v22;
	v38 =	vand.u32 $0xF, v21;
	v34 =	vadd.f32 $1.000000000e+00, v34  }
0x7c: {  	v22 =	vand.u32 $0xF, v13;
	v13 =	vperm.xlane v3, v30;
	v40 =	vmul.f32 v18, v12  }
0x7d: {  	v18 =	vand.u32 $0xF, v26;
	v26 =	vperm.xlane v4, v38;
	v21 =	vshrl.u32 v34, $0x13  }
0x7e: {  	v12 =	vperm.xlane v3, v18;
	v34 =	vperm.xlane v4, v22;
	v41 =	vand.u32 $0xF, v21  }
0x7f: {  	v18 =	vperm.xlane v4, v18;
	v29 =	vmul.f32 v26, v29;
	v21 =	vadd.f32 $1.000000000e+00, v25  }
0x80: {  	v43 =	vperm.xlane v3, v33;
	v42 =	vand.u32 $0xF, v23;
	v26 =	vperm.xlane v4, v41  }
0x81: {  	v23 =	vperm.xlane v3, v42;
	v14 =	vmul.f32 v34, v14;
	v34 =	vshrl.u32 v21, $0x13  }
0x82: {  	v25 =	vshrl.u32 v27, $0x13;
	v27 =	vperm.xlane v4, v30;
	v26 =	vmul.f32 v26, v28  }
0x83: {  	v30 =	vmin.f32 v9, $9.999998800e-01;
	v21 =	vmul.f32 v24, v17;
	v28 =	vperm.xlane v4, v33  }
0x84: {  	v24 =	vperm.xlane v3, v22;
	v33 =	vand.u32 $0xF, v34;
	v34 =	vshrl.u32 v35, $0x13  }
0x85: {  	v17 =	vadd.f32 $1.000000000e+00, v30;
	v22 =	vmul.f32 v27, v15;
	v15 =	vand.u32 $0xF, v34  }
0x86: {  	v31 =	vadd.f32 v31, v36;
	v27 =	vperm.xlane v3, v37;
	v30 =	vperm.xlane v4, v15  }
.Ltmp2:
0x87: {  	v14 =	vadd.f32 v14, v24;
	v34 =	vperm.xlane v3, v38;
	v20 =	vmul.f32 v28, v20;
	(pc) =	sbr.rel @p1 .LBB2_3-.Ltmp2, $4  }
0x88: {  	v28 =	vadd.f32 v32, v39;
	v15 =	vperm.xlane v3, v15;
	v16 =	vmul.f32 v30, v16;
	[tilespmem:s31+$0x70] =	vst v31  }
0x89: {  	v30 =	vadd.f32 v20, v43;
	v20 =	vperm.xlane v3, v41;
	[tilespmem:s31+$0xFFFFFF80] =	vst v14;
	v14 =	vperm.xlane v4, v42  }
0x8a: {  	v27 =	vadd.f32 v40, v27;
	v24 =	vperm.xlane v3, v33;
	v15 =	vadd.f32 v16, v15;
	[tilespmem:s31+$0x40] =	vst v28  }
0x8b: {  	s30 =	sadd.s32 $0x100, s30;
	v16 =	vadd.f32 v29, v34;
	v28 =	vmul.f32 v14, v19;
	[tilespmem:s31+$0xFFFFFFA0] =	vst v30;
	v19 =	vperm.xlane v4, v33  }
0x8c: {  	v14 =	vshrl.u32 v17, $0x13;
	[tilespmem:s28+$0x0] =	vst v27  }
0x8d: {  	v57 =	vand.u32 $0xF, v25;
	v20 =	vadd.f32 v26, v20;
	[tilespmem:s28+$0x60] =	vst v15;
	v11 =	vand.u32 $0xF, v11  }
0x8e: {  	v10 =	vadd.f32 v21, v10;
	v6 =	vmul.f32 v18, v6;
	v13 =	vadd.f32 v22, v13;
	[tilespmem:s28+$0x20] =	vst v16  }
0x8f: {  	v14 =	vand.u32 $0xF, v14;
	v58 =	vperm.xlane v4, v57;
	v59 =	vperm.xlane v3, v57;
	[tilespmem:s28+$0xFFFFFFF0] =	vst v20  }
0x90: {  	v60 =	vperm.xlane v4, v11;
	v7 =	vmul.f32 v19, v7;
	[tilespmem:s28+$0x50] =	vst v10;
	v6 =	vadd.f32 v6, v12  }
0x91: {  	v23 =	vadd.f32 v28, v23;
	v61 =	vperm.xlane v4, v14;
	[tilespmem:s28+$0x30] =	vst v13;
	v8 =	vmul.f32 v58, v8  }
0x92: {  	v62 =	vperm.xlane v3, v11;
	v5 =	vmul.f32 v60, v5;
	[tilespmem:s28+$0xFFFFFFD0] =	vst v6;
	v6 =	vadd.f32 v7, v24  }
0x93: {  	p1 =	sne.s32 s24, $0xF;
	v63 =	vperm.xlane v3, v14;
	[tilespmem:s28+$0xFFFFFF90] =	vst v23;
	v9 =	vmul.f32 v61, v9;
	v8 =	vadd.f32 v8, v59  }
.Ltmp3:
0x94: {  	v5 =	vadd.f32 v5, v62;
	[tilespmem:s28+$0x10] =	vst v6;
	(pc) =	sbr.rel @p1 .LBB2_6-.Ltmp3, $4  }
0x95: {  	v7 =	vadd.f32 v9, v63;
	[tilespmem:s28+$0xFFFFFFE0] =	vst v8  }
0x96: {  	s26 =	sshrl.u32 s26, $0x3;
	[tilespmem:s28+$0xFFFFFFB0] =	vst v5  }
0x97: {  	s31 =	sadd.s32 s5, s26;
	[tilespmem:s28+$0xFFFFFFC0] =	vst v7  }
0x98: {  	[hbm4b:s31+s6] =	stream.linear.scatter [tilespmem:s18], [sflag:$0x3], $0x4000, $0x38;
	[tilespmem:$0x10100] =	vst v63  }
.Ltmp4:
0x99: {  	(pc) =	sbr.rel .LBB2_7-.Ltmp4, $4  }
0x9a: {  	_ = 	snop  }
0x9b: {  	_ =	swait.ge [sflag:s19], $0x4000  }
0x9c: {  	[sflag:s19] =	ssyncset.done $0x0  }
0x9d: {  	[sflag:s19] =	ssyncadd.s32 $0xFFFFC000  }
.LBB2_6:
0x9e: {  	s28 =	sadd.s32 s25, s10  }
0x9f: {  	s28 =	sshrl.u32 s28, $0x3  }
.Ltmp5:
0xa0: {  	s28 =	sadd.s32 s0, s28;
	(pc) =	sbr.rel @p0 .LBB2_8-.Ltmp5, $4  }
0xa1: {  	[tilespmem:s13], [sflag:$0x1] =	stream.linear.gather [hbm4b:s28+s6], $0x4000, $0x38;
	[tilespmem:$0x10100] =	vst v63  }
0xa2: {  	_ =	swait.ge [sflag:s19], $0x4000  }
0xa3: {  	[sflag:s19] =	ssyncset.done $0x0  }
0xa4: {  	[sflag:s19] =	ssyncadd.s32 $0xFFFFC000  }
.LBB2_7:
0xa5: {  	_ =	swait.ge [sflag:s20], $0x4000  }
0xa6: {  	[sflag:s20] =	ssyncset.done $0x0  }
0xa7: {  	[sflag:s20] =	ssyncadd.s32 $0xFFFFC000  }
.LBB2_8:
0xa8: {  	s28 =	simm.s32 $0x4180  }
0xa9: {  	v14 =	vld [tilespmem:s28+$0xFFFFFF80]  }
0xaa: {  	v15 =	vld [tilespmem:s28+$0x50]  }
0xab: {  	v16 =	vld [tilespmem:s28+$0x30]  }
0xac: {  	v18 =	vld [tilespmem:s28+$0x60]  }
0xad: {  	v20 =	vld [tilespmem:s28+$0xFFFFFFA0]  }
0xae: {  	v9 =	vld [tilespmem:s28+$0x70]  }
0xaf: {  	v28 =	vld [tilespmem:s28+$0xFFFFFF90]  }
0xb0: {  	v10 =	vld [tilespmem:s28+$0x40]  }
0xb1: {  	v5 =	vmin.f32 v14, $9.999998800e-01;
	v6 =	vmin.f32 v16, $9.999998800e-01  }
0xb2: {  	v12 =	vld [tilespmem:s28+$0x0];
	v11 =	vmin.f32 v15, $9.999998800e-01;
	v17 =	vmin.f32 v18, $9.999998800e-01;
	v19 =	vmin.f32 v20, $9.999998800e-01  }
0xb3: {  	v21 =	vmin.f32 v9, $9.999998800e-01;
	v13 =	vadd.f32 $1.000000000e+00, v5;
	v7 =	vadd.f32 $1.000000000e+00, v6  }
0xb4: {  	v23 =	vmin.f32 v28, $9.999998800e-01;
	v11 =	vadd.f32 $1.000000000e+00, v11;
	v19 =	vadd.f32 $1.000000000e+00, v19  }
0xb5: {  	v5 =	vmin.f32 v10, $9.999998800e-01;
	v21 =	vadd.f32 $1.000000000e+00, v21;
	v17 =	vadd.f32 $1.000000000e+00, v17  }
0xb6: {  	v8 =	vadd.f32 $1.000000000e+00, v5;
	v24 =	vshrl.u32 v7, $0x13;
	v7 =	vshrl.u32 v11, $0x13  }
0xb7: {  	v6 =	vld [tilespmem:s28+$0xFFFFFFD0];
	v11 =	vadd.f32 $1.000000000e+00, v23;
	v23 =	vmin.f32 v12, $9.999998800e-01;
	v21 =	vshrl.u32 v21, $0x13  }
0xb8: {  	v19 =	vshrl.u32 v19, $0x13;
	v13 =	vshrl.u32 v13, $0x13;
	v22 =	vshrl.u32 v8, $0x13  }
0xb9: {  	v5 =	vld [tilespmem:s28+$0xFFFFFFB0];
	v27 =	vand.u32 $0xF, v7;
	v21 =	vand.u32 $0xF, v21;
	v32 =	vand.u32 $0xF, v19  }
0xba: {  	v26 =	vld [tilespmem:s28+$0x20];
	v23 =	vadd.f32 $1.000000000e+00, v23;
	v24 =	vand.u32 $0xF, v24;
	v22 =	vand.u32 $0xF, v22  }
0xbb: {  	v29 =	vperm.xlane v4, v21;
	v34 =	vshrl.u32 v11, $0x13;
	v43 =	vperm.xlane v3, v32  }
0xbc: {  	v8 =	vld [tilespmem:s28+$0xFFFFFFE0];
	v32 =	vperm.xlane v4, v32;
	v25 =	vmin.f32 v6, $9.999998800e-01;
	v31 =	vperm.xlane v4, v22  }
0xbd: {  	v38 =	vperm.xlane v3, v22;
	v22 =	vand.u32 $0xF, v13;
	v13 =	vperm.xlane v3, v24  }
0xbe: {  	v34 =	vand.u32 $0xF, v34;
	v24 =	vperm.xlane v4, v24;
	v7 =	vmin.f32 v5, $9.999998800e-01  }
0xbf: {  	v33 =	vld [tilespmem:s28+$0xFFFFFFF0];
	v29 =	vmul.f32 v29, v9;
	v9 =	vadd.f32 $1.000000000e+00, v25;
	v25 =	vmin.f32 v26, $9.999998800e-01  }
0xc0: {  	v40 =	vperm.xlane v4, v22;
	v30 =	vadd.f32 $1.000000000e+00, v7;
	v31 =	vmul.f32 v31, v10  }
0xc1: {  	v7 =	vld [tilespmem:s28+$0x10];
	v10 =	vperm.xlane v3, v27;
	v27 =	vperm.xlane v4, v27;
	v19 =	vmin.f32 v8, $9.999998800e-01  }
0xc2: {  	v9 =	vshrl.u32 v9, $0x13;
	v14 =	vmul.f32 v40, v14;
	v35 =	vadd.f32 $1.000000000e+00, v19  }
0xc3: {  	v11 =	vshrl.u32 v30, $0x13;
	v19 =	vshrl.u32 v23, $0x13;
	v23 =	vadd.f32 $1.000000000e+00, v25  }
0xc4: {  	v30 =	vperm.xlane v3, v21;
	v25 =	vmin.f32 v33, $9.999998800e-01;
	v36 =	vand.u32 $0xF, v19  }
0xc5: {  	v25 =	vadd.f32 $1.000000000e+00, v25;
	v19 =	vperm.xlane v4, v36;
	v23 =	vshrl.u32 v23, $0x13  }
0xc6: {  	v29 =	vadd.f32 v29, v30;
	v21 =	vmin.f32 v7, $9.999998800e-01;
	v37 =	vand.u32 $0xF, v23  }
0xc7: {  	v23 =	vshrl.u32 v25, $0x13;
	v39 =	vmul.f32 v19, v12;
	v19 =	vand.u32 $0xF, v9  }
0xc8: {  	v25 =	vperm.xlane v4, v37;
	v41 =	vand.u32 $0xF, v23;
	v23 =	vperm.xlane v3, v34  }
0xc9: {  	v21 =	vadd.f32 $1.000000000e+00, v21;
	v30 =	vperm.xlane v3, v37;
	v12 =	vperm.xlane v3, v19  }
0xca: {  	v31 =	vadd.f32 v31, v38;
	v19 =	vperm.xlane v4, v19;
	v42 =	vmul.f32 v25, v26  }
0xcb: {  	v9 =	vld [tilespmem:s28+$0xFFFFFFC0];
	v26 =	vperm.xlane v4, v41;
	v61 =	vshrl.u32 v21, $0x13;
	v25 =	vshrl.u32 v35, $0x13  }
0xcc: {  	v21 =	vmul.f32 v27, v15;
	v15 =	vperm.xlane v3, v22;
	v27 =	vshrl.u32 v17, $0x13  }
0xcd: {  	v22 =	vmul.f32 v24, v16;
	v24 =	vperm.xlane v3, v36;
	v16 =	vand.u32 $0xF, v27  }
0xce: {  	v63 =	vand.u32 $0xF, v61;
	v26 =	vmul.f32 v26, v33;
	v27 =	vperm.xlane v4, v16  }
0xcf: {  	s28 =	simm.s32 $0xC180;
	v14 =	vadd.f32 v14, v15;
	v15 =	vmul.f32 v32, v20;
	v16 =	vperm.xlane v3, v16  }
0xd0: {  	[tilespmem:s28+$0x70] =	vst v29;
	v20 =	vperm.xlane v3, v41;
	v62 =	vmin.f32 v9, $9.999998800e-01;
	v18 =	vmul.f32 v27, v18  }
0xd1: {  	v17 =	vadd.f32 $1.000000000e+00, v62;
	[tilespmem:s28+$0xFFFFFF80] =	vst v14;
	v14 =	vperm.xlane v4, v34;
	v29 =	vadd.f32 v15, v43  }
0xd2: {  	[tilespmem:s28+$0x40] =	vst v31;
	v27 =	vadd.f32 v39, v24;
	v24 =	vperm.xlane v3, v63;
	v15 =	vadd.f32 v18, v16  }
0xd3: {  	s29 =	simm.s32 $0x0;
	s30 =	simm.s32 $0x4280;
	s31 =	simm.s32 $0xC180;
	v28 =	vmul.f32 v14, v28;
	[tilespmem:s28+$0xFFFFFFA0] =	vst v29;
	v18 =	vperm.xlane v4, v63;
	v16 =	vadd.f32 v42, v30  }
.LBB2_9:
0xd4: {  	v14 =	vld [tilespmem:s30+$0xFFFFFF80];
	s29 =	sadd.s32 $0x100, s29;
	v17 =	vshrl.u32 v17, $0x13;
	v25 =	vand.u32 $0xF, v25;
	v20 =	vadd.f32 v26, v20;
	[tilespmem:s28+$0x0] =	vst v27;
	s31 =	sadd.s32 $0x100, s31  }
0xd5: {  	v26 =	vld [tilespmem:s30+$0x70];
	p0 =	slt.u32 s29, $0x3F00;
	v23 =	vadd.f32 v28, v23;
	v27 =	vand.u32 $0xF, v17;
	v28 =	vperm.xlane v4, v25;
	[tilespmem:s28+$0x60] =	vst v15  }
0xd6: {  	v11 =	vand.u32 $0xF, v11;
	v25 =	vperm.xlane v3, v25;
	v17 =	vld [tilespmem:s30+$0x50];
	v29 =	vperm.xlane v4, v27;
	[tilespmem:s28+$0x20] =	vst v16  }
0xd7: {  	v10 =	vadd.f32 v21, v10;
	v30 =	vperm.xlane v3, v11;
	v27 =	vperm.xlane v3, v27;
	v15 =	vld [tilespmem:s30+$0x30];
	[tilespmem:s28+$0xFFFFFFF0] =	vst v20  }
0xd8: {  	v6 =	vmul.f32 v19, v6;
	v13 =	vadd.f32 v22, v13;
	v11 =	vperm.xlane v4, v11;
	v21 =	vld [tilespmem:s30+$0x40];
	[tilespmem:s28+$0xFFFFFF90] =	vst v23  }
0xd9: {  	v8 =	vmul.f32 v28, v8;
	v9 =	vmul.f32 v29, v9;
	v19 =	vmin.f32 v14, $9.999998800e-01;
	v16 =	vld [tilespmem:s30+$0x60];
	[tilespmem:s28+$0x50] =	vst v10  }
0xda: {  	v7 =	vmul.f32 v18, v7;
	v6 =	vadd.f32 v6, v12;
	v5 =	vmul.f32 v11, v5;
	v20 =	vld [tilespmem:s30+$0xFFFFFFA0];
	[tilespmem:s28+$0x30] =	vst v13  }
0xdb: {  	v8 =	vadd.f32 v8, v25;
	v10 =	vadd.f32 v9, v27;
	v12 =	vld [tilespmem:s30+$0x0]  }
0xdc: {  	v11 =	vadd.f32 v7, v24;
	v13 =	vadd.f32 $1.000000000e+00, v19;
	v18 =	vld [tilespmem:s30+$0xFFFFFF90];
	v9 =	vmin.f32 v15, $9.999998800e-01;
	[tilespmem:s28+$0xFFFFFFD0] =	vst v6  }
0xdd: {  	v22 =	vadd.f32 v5, v30;
	v7 =	vld [tilespmem:s30+$0x10];
	v19 =	vadd.f32 $1.000000000e+00, v9;
	v9 =	vmin.f32 v21, $9.999998800e-01;
	[tilespmem:s28+$0xFFFFFFE0] =	vst v8  }
0xde: {  	v6 =	vld [tilespmem:s30+$0xFFFFFFD0];
	v8 =	vadd.f32 $1.000000000e+00, v9;
	v9 =	vmin.f32 v17, $9.999998800e-01;
	v23 =	vmin.f32 v16, $9.999998800e-01;
	[tilespmem:s28+$0x10] =	vst v11  }
0xdf: {  	v25 =	vmin.f32 v26, $9.999998800e-01;
	v11 =	vmin.f32 v20, $9.999998800e-01;
	v5 =	vld [tilespmem:s30+$0xFFFFFFB0];
	v24 =	vadd.f32 $1.000000000e+00, v9;
	[tilespmem:s28+$0xFFFFFFB0] =	vst v22  }
0xe0: {  	v25 =	vadd.f32 $1.000000000e+00, v25;
	v11 =	vadd.f32 $1.000000000e+00, v11;
	v9 =	vld [tilespmem:s30+$0xFFFFFFC0];
	v22 =	vshrl.u32 v8, $0x13;
	[tilespmem:s28+$0xFFFFFFC0] =	vst v10;
	s28 =	smov.u32 s31  }
0xe1: {  	v19 =	vshrl.u32 v19, $0x13;
	v10 =	vmin.f32 v18, $9.999998800e-01;
	v8 =	vld [tilespmem:s30+$0xFFFFFFE0];
	v24 =	vshrl.u32 v24, $0x13  }
0xe2: {  	v25 =	vshrl.u32 v25, $0x13;
	v27 =	vadd.f32 $1.000000000e+00, v10;
	v10 =	vmin.f32 v12, $9.999998800e-01  }
0xe3: {  	v25 =	vand.u32 $0xF, v25;
	v24 =	vand.u32 $0xF, v24;
	v28 =	vmin.f32 v6, $9.999998800e-01;
	v29 =	vld [tilespmem:s30+$0x20]  }
0xe4: {  	v31 =	vperm.xlane v4, v25;
	v22 =	vand.u32 $0xF, v22;
	v30 =	vmin.f32 v5, $9.999998800e-01  }
0xe5: {  	v11 =	vshrl.u32 v11, $0x13;
	v32 =	vperm.xlane v4, v22;
	v30 =	vadd.f32 $1.000000000e+00, v30  }
0xe6: {  	v31 =	vmul.f32 v31, v26;
	v33 =	vand.u32 $0xF, v11;
	v11 =	vmin.f32 v8, $9.999998800e-01  }
0xe7: {  	v34 =	vadd.f32 $1.000000000e+00, v10;
	v26 =	vadd.f32 $1.000000000e+00, v28;
	v32 =	vmul.f32 v32, v21;
	v28 =	vld [tilespmem:s30+$0xFFFFFFF0]  }
0xe8: {  	v35 =	vadd.f32 $1.000000000e+00, v23;
	v10 =	vperm.xlane v3, v24;
	v21 =	vmin.f32 v29, $9.999998800e-01  }
0xe9: {  	v24 =	vperm.xlane v4, v24;
	v23 =	vshrl.u32 v27, $0x13;
	v27 =	vadd.f32 $1.000000000e+00, v11  }
0xea: {  	v36 =	vperm.xlane v3, v25;
	v11 =	vshrl.u32 v30, $0x13;
	v30 =	vand.u32 $0xF, v19  }
0xeb: {  	v25 =	vmin.f32 v7, $9.999998800e-01;
	v19 =	vshrl.u32 v34, $0x13;
	v21 =	vadd.f32 $1.000000000e+00, v21  }
0xec: {  	v26 =	vshrl.u32 v26, $0x13;
	v37 =	vand.u32 $0xF, v19;
	v34 =	vmin.f32 v28, $9.999998800e-01  }
0xed: {  	v13 =	vshrl.u32 v13, $0x13;
	v19 =	vperm.xlane v4, v37;
	v21 =	vshrl.u32 v21, $0x13  }
0xee: {  	v39 =	vperm.xlane v3, v22;
	v38 =	vand.u32 $0xF, v21;
	v34 =	vadd.f32 $1.000000000e+00, v34  }
0xef: {  	v22 =	vand.u32 $0xF, v13;
	v13 =	vperm.xlane v3, v30;
	v40 =	vmul.f32 v19, v12  }
0xf0: {  	v19 =	vand.u32 $0xF, v26;
	v26 =	vperm.xlane v4, v38;
	v21 =	vshrl.u32 v34, $0x13  }
0xf1: {  	v12 =	vperm.xlane v3, v19;
	v34 =	vperm.xlane v4, v22;
	v41 =	vand.u32 $0xF, v21  }
0xf2: {  	v19 =	vperm.xlane v4, v19;
	v29 =	vmul.f32 v26, v29;
	v21 =	vadd.f32 $1.000000000e+00, v25  }
0xf3: {  	v43 =	vperm.xlane v3, v33;
	v42 =	vand.u32 $0xF, v23;
	v26 =	vperm.xlane v4, v41  }
0xf4: {  	v23 =	vperm.xlane v3, v42;
	v14 =	vmul.f32 v34, v14;
	v34 =	vshrl.u32 v21, $0x13  }
0xf5: {  	v25 =	vshrl.u32 v27, $0x13;
	v27 =	vperm.xlane v4, v30;
	v26 =	vmul.f32 v26, v28  }
0xf6: {  	v30 =	vmin.f32 v9, $9.999998800e-01;
	v21 =	vmul.f32 v24, v17;
	v28 =	vperm.xlane v4, v33  }
0xf7: {  	v24 =	vperm.xlane v3, v22;
	v33 =	vand.u32 $0xF, v34;
	v34 =	vshrl.u32 v35, $0x13  }
0xf8: {  	v17 =	vadd.f32 $1.000000000e+00, v30;
	v22 =	vmul.f32 v27, v15;
	v15 =	vand.u32 $0xF, v34  }
0xf9: {  	v31 =	vadd.f32 v31, v36;
	v27 =	vperm.xlane v3, v37;
	v30 =	vperm.xlane v4, v15  }
.Ltmp6:
0xfa: {  	v14 =	vadd.f32 v14, v24;
	v34 =	vperm.xlane v3, v38;
	v20 =	vmul.f32 v28, v20;
	(pc) =	sbr.rel @p0 .LBB2_9-.Ltmp6, $4  }
0xfb: {  	v28 =	vadd.f32 v32, v39;
	v15 =	vperm.xlane v3, v15;
	v16 =	vmul.f32 v30, v16;
	[tilespmem:s31+$0x70] =	vst v31  }
0xfc: {  	v30 =	vadd.f32 v20, v43;
	v20 =	vperm.xlane v3, v41;
	[tilespmem:s31+$0xFFFFFF80] =	vst v14;
	v14 =	vperm.xlane v4, v42  }
0xfd: {  	v27 =	vadd.f32 v40, v27;
	v24 =	vperm.xlane v3, v33;
	v15 =	vadd.f32 v16, v15;
	[tilespmem:s31+$0x40] =	vst v28  }
0xfe: {  	s30 =	sadd.s32 $0x100, s30;
	v16 =	vadd.f32 v29, v34;
	v28 =	vmul.f32 v14, v18;
	[tilespmem:s31+$0xFFFFFFA0] =	vst v30;
	v18 =	vperm.xlane v4, v33  }
0xff: {  	v14 =	vshrl.u32 v17, $0x13;
	[tilespmem:s28+$0x0] =	vst v27  }
0x100: {  	v57 =	vand.u32 $0xF, v25;
	v20 =	vadd.f32 v26, v20;
	[tilespmem:s28+$0x60] =	vst v15;
	v11 =	vand.u32 $0xF, v11  }
0x101: {  	v10 =	vadd.f32 v21, v10;
	v6 =	vmul.f32 v19, v6;
	v13 =	vadd.f32 v22, v13;
	[tilespmem:s28+$0x20] =	vst v16  }
0x102: {  	v14 =	vand.u32 $0xF, v14;
	v58 =	vperm.xlane v4, v57;
	v59 =	vperm.xlane v3, v57;
	[tilespmem:s28+$0xFFFFFFF0] =	vst v20  }
0x103: {  	v60 =	vperm.xlane v4, v11;
	v7 =	vmul.f32 v18, v7;
	[tilespmem:s28+$0x50] =	vst v10;
	v6 =	vadd.f32 v6, v12  }
0x104: {  	v23 =	vadd.f32 v28, v23;
	v61 =	vperm.xlane v4, v14;
	[tilespmem:s28+$0x30] =	vst v13;
	v8 =	vmul.f32 v58, v8  }
0x105: {  	v62 =	vperm.xlane v3, v11;
	v5 =	vmul.f32 v60, v5;
	[tilespmem:s28+$0xFFFFFFD0] =	vst v6;
	v6 =	vadd.f32 v7, v24  }
0x106: {  	p0 =	seq.s32 s24, $0xF;
	v63 =	vperm.xlane v3, v14;
	[tilespmem:s28+$0xFFFFFF90] =	vst v23;
	v9 =	vmul.f32 v61, v9;
	v8 =	vadd.f32 v8, v59  }
.Ltmp7:
0x107: {  	v5 =	vadd.f32 v5, v62;
	[tilespmem:s28+$0x10] =	vst v6;
	(pc) =	sbr.rel @p0 .LBB2_12-.Ltmp7, $4  }
0x108: {  	v7 =	vadd.f32 v9, v63;
	[tilespmem:s28+$0xFFFFFFE0] =	vst v8  }
0x109: {  	s26 =	sadd.s32 s26, s5;
	[tilespmem:s28+$0xFFFFFFB0] =	vst v5  }
0x10a: {  	s26 =	sadd.s32 $0x800, s26;
	[tilespmem:s28+$0xFFFFFFC0] =	vst v7  }
0x10b: {  	[hbm4b:s26+s6] =	stream.linear.scatter [tilespmem:s21], [sflag:$0x4], $0x4000, $0x38;
	[tilespmem:$0x10100] =	vst v63  }
.Ltmp8:
0x10c: {  	(pc) =	sbr.rel .LBB2_2-.Ltmp8, $4  }
0x10d: {  	s25 =	sadd.s32 s25, s11  }
0x10e: {  	s25 =	sshrl.u32 s25, $0x3  }
0x10f: {  	s24 =	sadd.s32 $0x1, s24;
	s25 =	sadd.s32 s0, s25  }
0x110: {  	[tilespmem:s14], [sflag:$0x2] =	stream.linear.gather [hbm4b:s25+s6], $0x4000, $0x38;
	[tilespmem:$0x10100] =	vst v63  }
.LBB2_13:
0x111: {  	_ =	sfence.sel $0x180000  }
0x112: {  	[bflag:$0x0] =	sbarrier.arrive $0xFFFF  }
0x113: {  	p0 =	sne.s32 s3, $0x0;
	_ =	strace $0x90000047  }
0x114: {  	s0 =	sadd.s32 @!p0 $0x100000, s4;
	[bflag:$0x2] =	sbarrier.arrive $0xFFFF  }
0x115: {  	[sflag:s0] =	ssyncadd.tile.s32 @!p0 $0x1;
	_ =	shalt  }
.Lfunc_end2:
_tile_overlayer_lowered:
.L_overlay_start_2:
0x116: {  	(tag) =	ssettag $0x2  }
0x117: {  	s0 =	rddreg [dreg:$0x0];
	s2 =	stileid.u32  }
0x118: {  	s1 =	rddreg [dreg:$0x1];
	p0 =	sne.s32 s2, $0x0  }
0x119: {  	s3 =	rddreg [dreg:$0x2];
	[bflag:$0x3] =	sbarrier.arrive $0xFFFF;
	s2 =	simm.s32 @!p0 $0x1C05  }
0x11a: {  	[timem:s3], [sflag:s2] =	dma.local @!p0 [hbm:s0], s1  }
0x11b: {  	s0 =	simm.s32 @!p0 $0x5  }
0x11c: {  	_ =	swait.ge @!p0 [sflag:s0], s1  }
0x11d: {  	s1 =	ssub.s32 @!p0 $0x0, s1;
	[sflag:s0] =	ssyncset.done @!p0 $0x0  }
0x11e: {  	[sflag:s0] =	ssyncadd.s32 @!p0 s1  }
0x11f: {  	[bflag:$0x3] =	sbarrier.arrive $0xFFFF  }
0x120: {  	_ =	shalt  }

</sc_bundles>
